<compile_context>
chip_gen: v7x
topology: tpu7x:2x2x1
jax: 0.10.2.dev20260603
libtpu: 0.0.44.dev20260713+nightly
codegen_flags: <defaults>
</compile_context>

<pallas_src>
import jax
import jax.numpy as jnp
from jax import lax
from jax.experimental import pallas as pl
from jax.experimental.pallas import tpu as pltpu
from jax.experimental.pallas import tpu_sc as plsc

N_NODES = 10000
N_EDGES = 320000
D = 128

NC = 2
NS = 16
NW = NC * NS

CHUNK = 80
NCHUNK = 132
E_PAD = NW * NCHUNK * CHUNK
NPAD = 10112
ROWS_PER_TILE = NPAD // NS


def _scatter_gather_kernel(x_hbm, pk_hbm, zero_hbm, h2_hbm,
                           pk_v, sidx0, sidx1, didx0, didx1,
                           rows0, rows1, acc, sem0, sem1):
    c = lax.axis_index("c")
    s = lax.axis_index("s")
    wid = s * NC + c

    sidx = (sidx0, sidx1)
    didx = (didx0, didx1)
    bufs = (rows0, rows1)
    sems = (sem0, sem1)

    pltpu.sync_copy(pk_hbm.at[wid], pk_v)

    r0 = s * ROWS_PER_TILE
    pltpu.sync_copy(zero_hbm.at[pl.ds(r0, ROWS_PER_TILE)],
                    acc.at[pl.ds(r0, ROWS_PER_TILE)])
    plsc.subcore_barrier()

    def unpack(j, b):
        for t in range(CHUNK // 16):
            v = pk_v[j, pl.ds(t * 16, 16)]
            sidx[b][pl.ds(t * 16, 16)] = jnp.bitwise_and(v, 0xFFFF)
            didx[b][pl.ds(t * 16, 16)] = lax.shift_right_logical(v, 16)

    def gather(b):
        return pltpu.async_copy(x_hbm.at[sidx[b]], bufs[b], sems[b])

    def gather_wait(b):
        pltpu.make_async_copy(x_hbm.at[sidx[b]], bufs[b], sems[b]).wait()

    unpack(0, 0)
    unpack(1, 1)
    gather(0)
    gather(1)

    def body(i2, carry):
        for b in range(2):
            j = i2 * 2 + b
            gather_wait(b)
            pltpu.sync_copy(bufs[b], acc.at[didx[b]], add=True)
            jn = lax.rem(j + 2, NCHUNK)
            unpack(jn, b)
            gather(b)
        return carry

    lax.fori_loop(0, NCHUNK // 2, body, 0)

    gather_wait(0)
    gather_wait(1)

    plsc.subcore_barrier()
    pltpu.sync_copy(acc.at[pl.ds(r0, ROWS_PER_TILE)],
                    h2_hbm.at[c, pl.ds(r0, ROWS_PER_TILE)])


@jax.jit
def _segment_sum_sc(x, pk, zero):
    mesh = plsc.VectorSubcoreMesh(core_axis_name="c", subcore_axis_name="s")
    return pl.kernel(
        _scatter_gather_kernel,
        out_type=jax.ShapeDtypeStruct((NC, NPAD, D), jnp.float32),
        mesh=mesh,
        scratch_types=[
            pltpu.VMEM((NCHUNK, CHUNK), jnp.int32),
            pltpu.VMEM((CHUNK,), jnp.int32),
            pltpu.VMEM((CHUNK,), jnp.int32),
            pltpu.VMEM((CHUNK,), jnp.int32),
            pltpu.VMEM((CHUNK,), jnp.int32),
            pltpu.VMEM((CHUNK, D), jnp.float32),
            pltpu.VMEM((CHUNK, D), jnp.float32),
            pltpu.VMEM_SHARED((NPAD, D), jnp.float32),
            pltpu.SemaphoreType.DMA,
            pltpu.SemaphoreType.DMA,
        ],
    )(x, pk, zero)


def _linear_body(h2_ref, w_ref, b_ref, o_ref):
    h = h2_ref[0] + h2_ref[1]
    o_ref[...] = lax.dot_general(
        h, w_ref[...], (((1,), (1,)), ((), ())),
        preferred_element_type=jnp.float32) + b_ref[...]


@jax.jit
def _linear_tc(h2, W, b2):
    blk = 1000
    grid = N_NODES // blk
    return pl.pallas_call(
        _linear_body,
        grid=(grid,),
        in_specs=[
            pl.BlockSpec((NC, blk, D), lambda i: (0, i, 0)),
            pl.BlockSpec((D, D), lambda i: (0, 0)),
            pl.BlockSpec((1, D), lambda i: (0, 0)),
        ],
        out_specs=pl.BlockSpec((blk, D), lambda i: (i, 0)),
        out_shape=jax.ShapeDtypeStruct((N_NODES, D), jnp.float32),
    )(h2, W, b2)


def kernel(inputs, edge_index, W, b):
    n_pad = E_PAD - N_EDGES
    src = jnp.concatenate(
        [edge_index[0], jnp.zeros((n_pad,), jnp.int32)])
    pad_dst = N_NODES + jnp.arange(n_pad, dtype=jnp.int32) % (NPAD - N_NODES)
    dst = jnp.concatenate([edge_index[1], pad_dst])
    pk = (src | (dst << 16)).reshape(NW, NCHUNK, CHUNK)
    zero = jnp.zeros((NPAD, D), jnp.float32)
    h2 = _segment_sum_sc(inputs, pk, zero)
    return _linear_tc(h2, W, b.reshape(1, D))

# --- scband reference (transcript-rebuilt; emitter-appended) ---
"""Pipeline reference for scband-gcnlayer-1657857376311 (READ-ONLY COPY).

The authoritative reference and input builder live on the scoring server;
editing this copy changes nothing except your own understanding.
"""

import jax, jax.numpy as jnp
import numpy as np

N_NODES = 10000
N_EDGES = 320000
D_IN = 128
D_OUT = 128


def setup_inputs(seed: int = 0) -> dict:
    key = jax.random.key(seed)
    k1, k2, k3, k4 = jax.random.split(key, 4)
    x = jax.random.normal(k1, (N_NODES, D_IN), dtype=jnp.float32)
    edge_index = jax.random.randint(k2, (2, N_EDGES), 0, N_NODES)
    # nn.Linear params: W [out, in], b [out]
    W = jax.random.normal(k3, (D_OUT, D_IN), dtype=jnp.float32) * (1.0 / np.sqrt(D_IN))
    b = jax.random.normal(k4, (D_OUT,), dtype=jnp.float32) * 0.01
    return {"inputs": x, "edge_index": edge_index, "W": W, "b": b}


def reference(inputs, edge_index, W, b):
    # GCN message passing: each edge carries src node features ('msg'),
    # each node sums incoming messages, then a Linear layer is applied.
    src = edge_index[0]
    dst = edge_index[1]
    msg = jnp.take(inputs, src, axis=0)            # gather src features per edge
    h = jax.ops.segment_sum(msg, dst, num_segments=inputs.shape[0])  # scatter-add to dst
    out = h @ W.T + b                               # nn.Linear
    return out

if __name__ == "__main__":
    import jax
    _d = setup_inputs()
    print(jax.jit(kernel)(*tuple(_d.values())))

</pallas_src>

<mosaic_0001>
#map = affine_map<(d0, d1) -> (0, 0)>
#map1 = affine_map<(d0, d1) -> (0, 0, 0)>
module attributes {stable_mosaic.version = 14 : i64} {
  func.func @_scatter_gather_kernel(%arg0: i32, %arg1: i32, %arg2: memref<10000x128xf32, #tpu.memory_space<hbm>>, %arg3: memref<32x132x80xi32, #tpu.memory_space<hbm>>, %arg4: memref<10112x128xf32, #tpu.memory_space<hbm>>, %arg5: memref<2x10112x128xf32, #tpu.memory_space<hbm>>, %arg6: memref<132x80xi32, #tpu.memory_space<vmem>>, %arg7: memref<80xi32, #tpu.memory_space<vmem>>, %arg8: memref<80xi32, #tpu.memory_space<vmem>>, %arg9: memref<80xi32, #tpu.memory_space<vmem>>, %arg10: memref<80xi32, #tpu.memory_space<vmem>>, %arg11: memref<80x128xf32, #tpu.memory_space<vmem>>, %arg12: memref<80x128xf32, #tpu.memory_space<vmem>>, %arg13: memref<10112x128xf32, #tpu.memory_space<vmem_shared>>, %arg14: memref<!tpu.dma_semaphore, #tpu.memory_space<semaphore_mem>>, %arg15: memref<!tpu.dma_semaphore, #tpu.memory_space<semaphore_mem>>) attributes {dimension_semantics = [#tpu.dimension_semantics<core_parallel>, #tpu.dimension_semantics<subcore_parallel>], iteration_bounds = array<i64: 2, 16>, scalar_prefetch = 0 : i64, scratch_operands = 10 : i64, tpu.core_type = #tpu.core_type<sc_vector_subcore>, window_params = [{transform_indices = #map}, {transform_indices = #map1}, {transform_indices = #map}, {transform_indices = #map1}]} {
    %mul3A = arith.constant 2 : i32
    %mul3A_0 = arith.muli %arg1, %mul3A : i32
    %add3A = arith.addi %mul3A_0, %arg0 : i32
    "tpu.region"() ({
      %run_scoped3A = tpu.sem_alloc : memref<!tpu.dma_semaphore, #tpu.memory_space<semaphore_mem>>
      %dma_start3A_205 = arith.constant 0 : i32
      %dma_start3A_206 = arith.constant 0 : i32
      %dma_start3A_207 = tpu.memref_slice %arg3[%add3A, %dma_start3A_205, %dma_start3A_206] : memref<32x132x80xi32, #tpu.memory_space<hbm>> -> memref<1x132x80xi32, #tpu.memory_space<hbm>>
      %dma_start3A_208 = tpu.memref_squeeze %dma_start3A_207 : memref<1x132x80xi32, #tpu.memory_space<hbm>> -> memref<132x80xi32, #tpu.memory_space<hbm>>
      %dma_start3A_209 = arith.constant 0 : i32
      %dma_start3A_210 = arith.constant 0 : i32
      %dma_start3A_211 = tpu.memref_slice %arg3[%add3A, %dma_start3A_209, %dma_start3A_210] : memref<32x132x80xi32, #tpu.memory_space<hbm>> -> memref<1x132x80xi32, #tpu.memory_space<hbm>>
      %dma_start3A_212 = tpu.memref_squeeze %dma_start3A_211 : memref<1x132x80xi32, #tpu.memory_space<hbm>> -> memref<132x80xi32, #tpu.memory_space<hbm>>
      tpu.enqueue_dma source(%dma_start3A_212 : memref<132x80xi32, #tpu.memory_space<hbm>>) target(%arg6 : memref<132x80xi32, #tpu.memory_space<vmem>>) target_semaphore(%run_scoped3A : memref<!tpu.dma_semaphore, #tpu.memory_space<semaphore_mem>>)
      %dma_wait3A_213 = arith.constant 0 : i32
      %dma_wait3A_214 = arith.constant 0 : i32
      %dma_wait3A_215 = tpu.memref_slice %arg3[%add3A, %dma_wait3A_213, %dma_wait3A_214] : memref<32x132x80xi32, #tpu.memory_space<hbm>> -> memref<1x132x80xi32, #tpu.memory_space<hbm>>
      %dma_wait3A_216 = tpu.memref_squeeze %dma_wait3A_215 : memref<1x132x80xi32, #tpu.memory_space<hbm>> -> memref<132x80xi32, #tpu.memory_space<hbm>>
      %dma_wait3A_217 = arith.constant 0 : i32
      %dma_wait3A_218 = arith.constant 0 : i32
      %dma_wait3A_219 = tpu.memref_slice %arg3[%add3A, %dma_wait3A_217, %dma_wait3A_218] : memref<32x132x80xi32, #tpu.memory_space<hbm>> -> memref<1x132x80xi32, #tpu.memory_space<hbm>>
      %dma_wait3A_220 = tpu.memref_squeeze %dma_wait3A_219 : memref<1x132x80xi32, #tpu.memory_space<hbm>> -> memref<132x80xi32, #tpu.memory_space<hbm>>
      tpu.wait_dma2 semaphore(%run_scoped3A : memref<!tpu.dma_semaphore, #tpu.memory_space<semaphore_mem>>) src(%dma_wait3A_220 : memref<132x80xi32, #tpu.memory_space<hbm>>) dst(%arg6 : memref<132x80xi32, #tpu.memory_space<vmem>>)
      tpu.yield
    }) : () -> ()
    %mul3A_1 = arith.constant 632 : i32
    %mul3A_2 = arith.muli %arg1, %mul3A_1 : i32
    "tpu.region"() ({
      %run_scoped3A = tpu.sem_alloc : memref<!tpu.dma_semaphore, #tpu.memory_space<semaphore_mem>>
      %dma_start3A_205 = arith.constant 0 : i32
      %dma_start3A_206 = tpu.memref_slice %arg13[%mul3A_2, %dma_start3A_205] : memref<10112x128xf32, #tpu.memory_space<vmem_shared>> -> memref<632x128xf32, #tpu.memory_space<vmem_shared>>
      %dma_start3A_207 = arith.constant 0 : i32
      %dma_start3A_208 = tpu.memref_slice %arg4[%mul3A_2, %dma_start3A_207] : memref<10112x128xf32, #tpu.memory_space<hbm>> -> memref<632x128xf32, #tpu.memory_space<hbm>>
      tpu.enqueue_dma source(%dma_start3A_208 : memref<632x128xf32, #tpu.memory_space<hbm>>) target(%dma_start3A_206 : memref<632x128xf32, #tpu.memory_space<vmem_shared>>) target_semaphore(%run_scoped3A : memref<!tpu.dma_semaphore, #tpu.memory_space<semaphore_mem>>)
      %dma_wait3A_209 = arith.constant 0 : i32
      %dma_wait3A_210 = tpu.memref_slice %arg13[%mul3A_2, %dma_wait3A_209] : memref<10112x128xf32, #tpu.memory_space<vmem_shared>> -> memref<632x128xf32, #tpu.memory_space<vmem_shared>>
      %dma_wait3A_211 = arith.constant 0 : i32
      %dma_wait3A_212 = tpu.memref_slice %arg4[%mul3A_2, %dma_wait3A_211] : memref<10112x128xf32, #tpu.memory_space<hbm>> -> memref<632x128xf32, #tpu.memory_space<hbm>>
      tpu.wait_dma2 semaphore(%run_scoped3A : memref<!tpu.dma_semaphore, #tpu.memory_space<semaphore_mem>>) src(%dma_wait3A_212 : memref<632x128xf32, #tpu.memory_space<hbm>>) dst(%dma_wait3A_210 : memref<632x128xf32, #tpu.memory_space<vmem_shared>>)
      tpu.yield
    }) : () -> ()
    %barrier3A = arith.constant 0 : index
    tpu.barrier barrier_id(%barrier3A)
    %get3A = arith.constant 0 : i32
    %get3A_3 = arith.index_cast %get3A : i32 to index
    %get3A_4 = arith.constant 0 : index
    %get3A_5 = tpu.vector_load %arg6[%get3A_3, %get3A_4] {strides = array<i32>} : memref<132x80xi32, #tpu.memory_space<vmem>>, vector<1x16xi32>,
    %get3A_6 = vector.shape_cast %get3A_5 : vector<1x16xi32> to vector<16xi32>
    %and3A = arith.constant 65535 : i32
    %and3A_7 = vector.broadcast %and3A : i32 to vector<16xi32>
    %and3A_8 = arith.andi %get3A_6, %and3A_7 : vector<16xi32>
    %swap3A = arith.constant 0 : index
    %swap3A_9 = tpu.vector_load %arg7[%swap3A] {strides = array<i32>} : memref<80xi32, #tpu.memory_space<vmem>>, vector<16xi32>,
    %swap3A_10 = vector.shape_cast %swap3A_9 : vector<16xi32> to vector<16xi32>
    %swap3A_11 = vector.shape_cast %and3A_8 : vector<16xi32> to vector<16xi32>
    tpu.vector_store %arg7[%swap3A], %swap3A_11 {strides = array<i32>} : memref<80xi32, #tpu.memory_space<vmem>>, vector<16xi32>,
    %shift_right_logical3A = arith.constant 16 : i32
    %shift_right_logical3A_12 = vector.broadcast %shift_right_logical3A : i32 to vector<16xi32>
    %shift_right_logical3A_13 = arith.shrui %get3A_6, %shift_right_logical3A_12 : vector<16xi32>
    %swap3A_14 = arith.constant 0 : index
    %swap3A_15 = tpu.vector_load %arg9[%swap3A_14] {strides = array<i32>} : memref<80xi32, #tpu.memory_space<vmem>>, vector<16xi32>,
    %swap3A_16 = vector.shape_cast %swap3A_15 : vector<16xi32> to vector<16xi32>
    %swap3A_17 = vector.shape_cast %shift_right_logical3A_13 : vector<16xi32> to vector<16xi32>
    tpu.vector_store %arg9[%swap3A_14], %swap3A_17 {strides = array<i32>} : memref<80xi32, #tpu.memory_space<vmem>>, vector<16xi32>,
    %get3A_18 = arith.constant 0 : i32
    %get3A_19 = arith.index_cast %get3A_18 : i32 to index
    %get3A_20 = arith.constant 16 : index
    %get3A_21 = tpu.vector_load %arg6[%get3A_19, %get3A_20] {strides = array<i32>} : memref<132x80xi32, #tpu.memory_space<vmem>>, vector<1x16xi32>,
    %get3A_22 = vector.shape_cast %get3A_21 : vector<1x16xi32> to vector<16xi32>
    %and3A_23 = arith.constant 65535 : i32
    %and3A_24 = vector.broadcast %and3A_23 : i32 to vector<16xi32>
    %and3A_25 = arith.andi %get3A_22, %and3A_24 : vector<16xi32>
    %swap3A_26 = arith.constant 16 : index
    %swap3A_27 = tpu.vector_load %arg7[%swap3A_26] {strides = array<i32>} : memref<80xi32, #tpu.memory_space<vmem>>, vector<16xi32>,
    %swap3A_28 = vector.shape_cast %swap3A_27 : vector<16xi32> to vector<16xi32>
    %swap3A_29 = vector.shape_cast %and3A_25 : vector<16xi32> to vector<16xi32>
    tpu.vector_store %arg7[%swap3A_26], %swap3A_29 {strides = array<i32>} : memref<80xi32, #tpu.memory_space<vmem>>, vector<16xi32>,
    %shift_right_logical3A_30 = arith.constant 16 : i32
    %shift_right_logical3A_31 = vector.broadcast %shift_right_logical3A_30 : i32 to vector<16xi32>
    %shift_right_logical3A_32 = arith.shrui %get3A_22, %shift_right_logical3A_31 : vector<16xi32>
    %swap3A_33 = arith.constant 16 : index
    %swap3A_34 = tpu.vector_load %arg9[%swap3A_33] {strides = array<i32>} : memref<80xi32, #tpu.memory_space<vmem>>, vector<16xi32>,
    %swap3A_35 = vector.shape_cast %swap3A_34 : vector<16xi32> to vector<16xi32>
    %swap3A_36 = vector.shape_cast %shift_right_logical3A_32 : vector<16xi32> to vector<16xi32>
    tpu.vector_store %arg9[%swap3A_33], %swap3A_36 {strides = array<i32>} : memref<80xi32, #tpu.memory_space<vmem>>, vector<16xi32>,
    %get3A_37 = arith.constant 0 : i32
    %get3A_38 = arith.index_cast %get3A_37 : i32 to index
    %get3A_39 = arith.constant 32 : index
    %get3A_40 = tpu.vector_load %arg6[%get3A_38, %get3A_39] {strides = array<i32>} : memref<132x80xi32, #tpu.memory_space<vmem>>, vector<1x16xi32>,
    %get3A_41 = vector.shape_cast %get3A_40 : vector<1x16xi32> to vector<16xi32>
    %and3A_42 = arith.constant 65535 : i32
    %and3A_43 = vector.broadcast %and3A_42 : i32 to vector<16xi32>
    %and3A_44 = arith.andi %get3A_41, %and3A_43 : vector<16xi32>
    %swap3A_45 = arith.constant 32 : index
    %swap3A_46 = tpu.vector_load %arg7[%swap3A_45] {strides = array<i32>} : memref<80xi32, #tpu.memory_space<vmem>>, vector<16xi32>,
    %swap3A_47 = vector.shape_cast %swap3A_46 : vector<16xi32> to vector<16xi32>
    %swap3A_48 = vector.shape_cast %and3A_44 : vector<16xi32> to vector<16xi32>
    tpu.vector_store %arg7[%swap3A_45], %swap3A_48 {strides = array<i32>} : memref<80xi32, #tpu.memory_space<vmem>>, vector<16xi32>,
    %shift_right_logical3A_49 = arith.constant 16 : i32
    %shift_right_logical3A_50 = vector.broadcast %shift_right_logical3A_49 : i32 to vector<16xi32>
    %shift_right_logical3A_51 = arith.shrui %get3A_41, %shift_right_logical3A_50 : vector<16xi32>
    %swap3A_52 = arith.constant 32 : index
    %swap3A_53 = tpu.vector_load %arg9[%swap3A_52] {strides = array<i32>} : memref<80xi32, #tpu.memory_space<vmem>>, vector<16xi32>,
    %swap3A_54 = vector.shape_cast %swap3A_53 : vector<16xi32> to vector<16xi32>
    %swap3A_55 = vector.shape_cast %shift_right_logical3A_51 : vector<16xi32> to vector<16xi32>
    tpu.vector_store %arg9[%swap3A_52], %swap3A_55 {strides = array<i32>} : memref<80xi32, #tpu.memory_space<vmem>>, vector<16xi32>,
    %get3A_56 = arith.constant 0 : i32
    %get3A_57 = arith.index_cast %get3A_56 : i32 to index
    %get3A_58 = arith.constant 48 : index
    %get3A_59 = tpu.vector_load %arg6[%get3A_57, %get3A_58] {strides = array<i32>} : memref<132x80xi32, #tpu.memory_space<vmem>>, vector<1x16xi32>,
    %get3A_60 = vector.shape_cast %get3A_59 : vector<1x16xi32> to vector<16xi32>
    %and3A_61 = arith.constant 65535 : i32
    %and3A_62 = vector.broadcast %and3A_61 : i32 to vector<16xi32>
    %and3A_63 = arith.andi %get3A_60, %and3A_62 : vector<16xi32>
    %swap3A_64 = arith.constant 48 : index
    %swap3A_65 = tpu.vector_load %arg7[%swap3A_64] {strides = array<i32>} : memref<80xi32, #tpu.memory_space<vmem>>, vector<16xi32>,
    %swap3A_66 = vector.shape_cast %swap3A_65 : vector<16xi32> to vector<16xi32>
    %swap3A_67 = vector.shape_cast %and3A_63 : vector<16xi32> to vector<16xi32>
    tpu.vector_store %arg7[%swap3A_64], %swap3A_67 {strides = array<i32>} : memref<80xi32, #tpu.memory_space<vmem>>, vector<16xi32>,
    %shift_right_logical3A_68 = arith.constant 16 : i32
    %shift_right_logical3A_69 = vector.broadcast %shift_right_logical3A_68 : i32 to vector<16xi32>
    %shift_right_logical3A_70 = arith.shrui %get3A_60, %shift_right_logical3A_69 : vector<16xi32>
    %swap3A_71 = arith.constant 48 : index
    %swap3A_72 = tpu.vector_load %arg9[%swap3A_71] {strides = array<i32>} : memref<80xi32, #tpu.memory_space<vmem>>, vector<16xi32>,
    %swap3A_73 = vector.shape_cast %swap3A_72 : vector<16xi32> to vector<16xi32>
    %swap3A_74 = vector.shape_cast %shift_right_logical3A_70 : vector<16xi32> to vector<16xi32>
    tpu.vector_store %arg9[%swap3A_71], %swap3A_74 {strides = array<i32>} : memref<80xi32, #tpu.memory_space<vmem>>, vector<16xi32>,
    %get3A_75 = arith.constant 0 : i32
    %get3A_76 = arith.index_cast %get3A_75 : i32 to index
    %get3A_77 = arith.constant 64 : index
    %get3A_78 = tpu.vector_load %arg6[%get3A_76, %get3A_77] {strides = array<i32>} : memref<132x80xi32, #tpu.memory_space<vmem>>, vector<1x16xi32>,
    %get3A_79 = vector.shape_cast %get3A_78 : vector<1x16xi32> to vector<16xi32>
    %and3A_80 = arith.constant 65535 : i32
    %and3A_81 = vector.broadcast %and3A_80 : i32 to vector<16xi32>
    %and3A_82 = arith.andi %get3A_79, %and3A_81 : vector<16xi32>
    %swap3A_83 = arith.constant 64 : index
    %swap3A_84 = tpu.vector_load %arg7[%swap3A_83] {strides = array<i32>} : memref<80xi32, #tpu.memory_space<vmem>>, vector<16xi32>,
    %swap3A_85 = vector.shape_cast %swap3A_84 : vector<16xi32> to vector<16xi32>
    %swap3A_86 = vector.shape_cast %and3A_82 : vector<16xi32> to vector<16xi32>
    tpu.vector_store %arg7[%swap3A_83], %swap3A_86 {strides = array<i32>} : memref<80xi32, #tpu.memory_space<vmem>>, vector<16xi32>,
    %shift_right_logical3A_87 = arith.constant 16 : i32
    %shift_right_logical3A_88 = vector.broadcast %shift_right_logical3A_87 : i32 to vector<16xi32>
    %shift_right_logical3A_89 = arith.shrui %get3A_79, %shift_right_logical3A_88 : vector<16xi32>
    %swap3A_90 = arith.constant 64 : index
    %swap3A_91 = tpu.vector_load %arg9[%swap3A_90] {strides = array<i32>} : memref<80xi32, #tpu.memory_space<vmem>>, vector<16xi32>,
    %swap3A_92 = vector.shape_cast %swap3A_91 : vector<16xi32> to vector<16xi32>
    %swap3A_93 = vector.shape_cast %shift_right_logical3A_89 : vector<16xi32> to vector<16xi32>
    tpu.vector_store %arg9[%swap3A_90], %swap3A_93 {strides = array<i32>} : memref<80xi32, #tpu.memory_space<vmem>>, vector<16xi32>,
    %get3A_94 = arith.constant 1 : i32
    %get3A_95 = arith.index_cast %get3A_94 : i32 to index
    %get3A_96 = arith.constant 0 : index
    %get3A_97 = tpu.vector_load %arg6[%get3A_95, %get3A_96] {strides = array<i32>} : memref<132x80xi32, #tpu.memory_space<vmem>>, vector<1x16xi32>,
    %get3A_98 = vector.shape_cast %get3A_97 : vector<1x16xi32> to vector<16xi32>
    %and3A_99 = arith.constant 65535 : i32
    %and3A_100 = vector.broadcast %and3A_99 : i32 to vector<16xi32>
    %and3A_101 = arith.andi %get3A_98, %and3A_100 : vector<16xi32>
    %swap3A_102 = arith.constant 0 : index
    %swap3A_103 = tpu.vector_load %arg8[%swap3A_102] {strides = array<i32>} : memref<80xi32, #tpu.memory_space<vmem>>, vector<16xi32>,
    %swap3A_104 = vector.shape_cast %swap3A_103 : vector<16xi32> to vector<16xi32>
    %swap3A_105 = vector.shape_cast %and3A_101 : vector<16xi32> to vector<16xi32>
    tpu.vector_store %arg8[%swap3A_102], %swap3A_105 {strides = array<i32>} : memref<80xi32, #tpu.memory_space<vmem>>, vector<16xi32>,
    %shift_right_logical3A_106 = arith.constant 16 : i32
    %shift_right_logical3A_107 = vector.broadcast %shift_right_logical3A_106 : i32 to vector<16xi32>
    %shift_right_logical3A_108 = arith.shrui %get3A_98, %shift_right_logical3A_107 : vector<16xi32>
    %swap3A_109 = arith.constant 0 : index
    %swap3A_110 = tpu.vector_load %arg10[%swap3A_109] {strides = array<i32>} : memref<80xi32, #tpu.memory_space<vmem>>, vector<16xi32>,
    %swap3A_111 = vector.shape_cast %swap3A_110 : vector<16xi32> to vector<16xi32>
    %swap3A_112 = vector.shape_cast %shift_right_logical3A_108 : vector<16xi32> to vector<16xi32>
    tpu.vector_store %arg10[%swap3A_109], %swap3A_112 {strides = array<i32>} : memref<80xi32, #tpu.memory_space<vmem>>, vector<16xi32>,
    %get3A_113 = arith.constant 1 : i32
    %get3A_114 = arith.index_cast %get3A_113 : i32 to index
    %get3A_115 = arith.constant 16 : index
    %get3A_116 = tpu.vector_load %arg6[%get3A_114, %get3A_115] {strides = array<i32>} : memref<132x80xi32, #tpu.memory_space<vmem>>, vector<1x16xi32>,
    %get3A_117 = vector.shape_cast %get3A_116 : vector<1x16xi32> to vector<16xi32>
    %and3A_118 = arith.constant 65535 : i32
    %and3A_119 = vector.broadcast %and3A_118 : i32 to vector<16xi32>
    %and3A_120 = arith.andi %get3A_117, %and3A_119 : vector<16xi32>
    %swap3A_121 = arith.constant 16 : index
    %swap3A_122 = tpu.vector_load %arg8[%swap3A_121] {strides = array<i32>} : memref<80xi32, #tpu.memory_space<vmem>>, vector<16xi32>,
    %swap3A_123 = vector.shape_cast %swap3A_122 : vector<16xi32> to vector<16xi32>
    %swap3A_124 = vector.shape_cast %and3A_120 : vector<16xi32> to vector<16xi32>
    tpu.vector_store %arg8[%swap3A_121], %swap3A_124 {strides = array<i32>} : memref<80xi32, #tpu.memory_space<vmem>>, vector<16xi32>,
    %shift_right_logical3A_125 = arith.constant 16 : i32
    %shift_right_logical3A_126 = vector.broadcast %shift_right_logical3A_125 : i32 to vector<16xi32>
    %shift_right_logical3A_127 = arith.shrui %get3A_117, %shift_right_logical3A_126 : vector<16xi32>
    %swap3A_128 = arith.constant 16 : index
    %swap3A_129 = tpu.vector_load %arg10[%swap3A_128] {strides = array<i32>} : memref<80xi32, #tpu.memory_space<vmem>>, vector<16xi32>,
    %swap3A_130 = vector.shape_cast %swap3A_129 : vector<16xi32> to vector<16xi32>
    %swap3A_131 = vector.shape_cast %shift_right_logical3A_127 : vector<16xi32> to vector<16xi32>
    tpu.vector_store %arg10[%swap3A_128], %swap3A_131 {strides = array<i32>} : memref<80xi32, #tpu.memory_space<vmem>>, vector<16xi32>,
    %get3A_132 = arith.constant 1 : i32
    %get3A_133 = arith.index_cast %get3A_132 : i32 to index
    %get3A_134 = arith.constant 32 : index
    %get3A_135 = tpu.vector_load %arg6[%get3A_133, %get3A_134] {strides = array<i32>} : memref<132x80xi32, #tpu.memory_space<vmem>>, vector<1x16xi32>,
    %get3A_136 = vector.shape_cast %get3A_135 : vector<1x16xi32> to vector<16xi32>
    %and3A_137 = arith.constant 65535 : i32
    %and3A_138 = vector.broadcast %and3A_137 : i32 to vector<16xi32>
    %and3A_139 = arith.andi %get3A_136, %and3A_138 : vector<16xi32>
    %swap3A_140 = arith.constant 32 : index
    %swap3A_141 = tpu.vector_load %arg8[%swap3A_140] {strides = array<i32>} : memref<80xi32, #tpu.memory_space<vmem>>, vector<16xi32>,
    %swap3A_142 = vector.shape_cast %swap3A_141 : vector<16xi32> to vector<16xi32>
    %swap3A_143 = vector.shape_cast %and3A_139 : vector<16xi32> to vector<16xi32>
    tpu.vector_store %arg8[%swap3A_140], %swap3A_143 {strides = array<i32>} : memref<80xi32, #tpu.memory_space<vmem>>, vector<16xi32>,
    %shift_right_logical3A_144 = arith.constant 16 : i32
    %shift_right_logical3A_145 = vector.broadcast %shift_right_logical3A_144 : i32 to vector<16xi32>
    %shift_right_logical3A_146 = arith.shrui %get3A_136, %shift_right_logical3A_145 : vector<16xi32>
    %swap3A_147 = arith.constant 32 : index
    %swap3A_148 = tpu.vector_load %arg10[%swap3A_147] {strides = array<i32>} : memref<80xi32, #tpu.memory_space<vmem>>, vector<16xi32>,
    %swap3A_149 = vector.shape_cast %swap3A_148 : vector<16xi32> to vector<16xi32>
    %swap3A_150 = vector.shape_cast %shift_right_logical3A_146 : vector<16xi32> to vector<16xi32>
    tpu.vector_store %arg10[%swap3A_147], %swap3A_150 {strides = array<i32>} : memref<80xi32, #tpu.memory_space<vmem>>, vector<16xi32>,
    %get3A_151 = arith.constant 1 : i32
    %get3A_152 = arith.index_cast %get3A_151 : i32 to index
    %get3A_153 = arith.constant 48 : index
    %get3A_154 = tpu.vector_load %arg6[%get3A_152, %get3A_153] {strides = array<i32>} : memref<132x80xi32, #tpu.memory_space<vmem>>, vector<1x16xi32>,
    %get3A_155 = vector.shape_cast %get3A_154 : vector<1x16xi32> to vector<16xi32>
    %and3A_156 = arith.constant 65535 : i32
    %and3A_157 = vector.broadcast %and3A_156 : i32 to vector<16xi32>
    %and3A_158 = arith.andi %get3A_155, %and3A_157 : vector<16xi32>
    %swap3A_159 = arith.constant 48 : index
    %swap3A_160 = tpu.vector_load %arg8[%swap3A_159] {strides = array<i32>} : memref<80xi32, #tpu.memory_space<vmem>>, vector<16xi32>,
    %swap3A_161 = vector.shape_cast %swap3A_160 : vector<16xi32> to vector<16xi32>
    %swap3A_162 = vector.shape_cast %and3A_158 : vector<16xi32> to vector<16xi32>
    tpu.vector_store %arg8[%swap3A_159], %swap3A_162 {strides = array<i32>} : memref<80xi32, #tpu.memory_space<vmem>>, vector<16xi32>,
    %shift_right_logical3A_163 = arith.constant 16 : i32
    %shift_right_logical3A_164 = vector.broadcast %shift_right_logical3A_163 : i32 to vector<16xi32>
    %shift_right_logical3A_165 = arith.shrui %get3A_155, %shift_right_logical3A_164 : vector<16xi32>
    %swap3A_166 = arith.constant 48 : index
    %swap3A_167 = tpu.vector_load %arg10[%swap3A_166] {strides = array<i32>} : memref<80xi32, #tpu.memory_space<vmem>>, vector<16xi32>,
    %swap3A_168 = vector.shape_cast %swap3A_167 : vector<16xi32> to vector<16xi32>
    %swap3A_169 = vector.shape_cast %shift_right_logical3A_165 : vector<16xi32> to vector<16xi32>
    tpu.vector_store %arg10[%swap3A_166], %swap3A_169 {strides = array<i32>} : memref<80xi32, #tpu.memory_space<vmem>>, vector<16xi32>,
    %get3A_170 = arith.constant 1 : i32
    %get3A_171 = arith.index_cast %get3A_170 : i32 to index
    %get3A_172 = arith.constant 64 : index
    %get3A_173 = tpu.vector_load %arg6[%get3A_171, %get3A_172] {strides = array<i32>} : memref<132x80xi32, #tpu.memory_space<vmem>>, vector<1x16xi32>,
    %get3A_174 = vector.shape_cast %get3A_173 : vector<1x16xi32> to vector<16xi32>
    %and3A_175 = arith.constant 65535 : i32
    %and3A_176 = vector.broadcast %and3A_175 : i32 to vector<16xi32>
    %and3A_177 = arith.andi %get3A_174, %and3A_176 : vector<16xi32>
    %swap3A_178 = arith.constant 64 : index
    %swap3A_179 = tpu.vector_load %arg8[%swap3A_178] {strides = array<i32>} : memref<80xi32, #tpu.memory_space<vmem>>, vector<16xi32>,
    %swap3A_180 = vector.shape_cast %swap3A_179 : vector<16xi32> to vector<16xi32>
    %swap3A_181 = vector.shape_cast %and3A_177 : vector<16xi32> to vector<16xi32>
    tpu.vector_store %arg8[%swap3A_178], %swap3A_181 {strides = array<i32>} : memref<80xi32, #tpu.memory_space<vmem>>, vector<16xi32>,
    %shift_right_logical3A_182 = arith.constant 16 : i32
    %shift_right_logical3A_183 = vector.broadcast %shift_right_logical3A_182 : i32 to vector<16xi32>
    %shift_right_logical3A_184 = arith.shrui %get3A_174, %shift_right_logical3A_183 : vector<16xi32>
    %swap3A_185 = arith.constant 64 : index
    %swap3A_186 = tpu.vector_load %arg10[%swap3A_185] {strides = array<i32>} : memref<80xi32, #tpu.memory_space<vmem>>, vector<16xi32>,
    %swap3A_187 = vector.shape_cast %swap3A_186 : vector<16xi32> to vector<16xi32>
    %swap3A_188 = vector.shape_cast %shift_right_logical3A_184 : vector<16xi32> to vector<16xi32>
    tpu.vector_store %arg10[%swap3A_185], %swap3A_188 {strides = array<i32>} : memref<80xi32, #tpu.memory_space<vmem>>, vector<16xi32>,
    %dma_start3A = arith.constant 0 : i32
    %dma_start3A_189 = arith.constant 0 : i32
    %dma_start3A_190 = tpu.memref_slice %arg2[%dma_start3A, %dma_start3A_189] : memref<10000x128xf32, #tpu.memory_space<hbm>> -> memref<10000x128xf32, #tpu.memory_space<hbm>>
    tpu.enqueue_indirect_dma source(%dma_start3A_190 : memref<10000x128xf32, #tpu.memory_space<hbm>>) target(%arg11 : memref<80x128xf32, #tpu.memory_space<vmem>>) offsets(%arg7 : memref<80xi32, #tpu.memory_space<vmem>>) semaphore(%arg14 : memref<!tpu.dma_semaphore, #tpu.memory_space<semaphore_mem>>)
    %dma_start3A_191 = arith.constant 0 : i32
    %dma_start3A_192 = arith.constant 0 : i32
    %dma_start3A_193 = tpu.memref_slice %arg2[%dma_start3A_191, %dma_start3A_192] : memref<10000x128xf32, #tpu.memory_space<hbm>> -> memref<10000x128xf32, #tpu.memory_space<hbm>>
    tpu.enqueue_indirect_dma source(%dma_start3A_193 : memref<10000x128xf32, #tpu.memory_space<hbm>>) target(%arg12 : memref<80x128xf32, #tpu.memory_space<vmem>>) offsets(%arg8 : memref<80xi32, #tpu.memory_space<vmem>>) semaphore(%arg15 : memref<!tpu.dma_semaphore, #tpu.memory_space<semaphore_mem>>)
    %scan3A = arith.constant 0 : i32
    %scan3A_194 = arith.constant 0 : i32
    %scan3A_195 = arith.constant 66 : i32
    %scan3A_196 = arith.addi %scan3A_194, %scan3A_195 : i32
    %scan3A_197 = arith.constant 1 : i32
    scf.for %scan3A_205 = %scan3A_194 to %scan3A_196 step %scan3A_197  : i32 {
      %mul3A_206 = arith.constant 2 : i32
      %mul3A_207 = arith.muli %scan3A_205, %mul3A_206 : i32
      %add3A_208 = arith.constant 0 : i32
      %add3A_209 = arith.addi %mul3A_207, %add3A_208 : i32
      %dma_wait3A_210 = arith.constant 0 : i32
      %dma_wait3A_211 = arith.constant 0 : i32
      %dma_wait3A_212 = tpu.memref_slice %arg2[%dma_wait3A_210, %dma_wait3A_211] : memref<10000x128xf32, #tpu.memory_space<hbm>> -> memref<10000x128xf32, #tpu.memory_space<hbm>>
      tpu.wait_indirect_dma semaphore(%arg14 : memref<!tpu.dma_semaphore, #tpu.memory_space<semaphore_mem>>) src(%dma_wait3A_212 : memref<10000x128xf32, #tpu.memory_space<hbm>>) dst(%arg11 : memref<80x128xf32, #tpu.memory_space<vmem>>)
      "tpu.region"() ({
        %run_scoped3A = tpu.sem_alloc : memref<!tpu.dma_semaphore, #tpu.memory_space<semaphore_mem>>
        %dma_start3A_413 = arith.constant 0 : i32
        %dma_start3A_414 = arith.constant 0 : i32
        %dma_start3A_415 = tpu.memref_slice %arg13[%dma_start3A_413, %dma_start3A_414] : memref<10112x128xf32, #tpu.memory_space<vmem_shared>> -> memref<10112x128xf32, #tpu.memory_space<vmem_shared>>
        tpu.enqueue_indirect_dma source(%arg11 : memref<80x128xf32, #tpu.memory_space<vmem>>) target(%dma_start3A_415 : memref<10112x128xf32, #tpu.memory_space<vmem_shared>>) offsets(%arg9 : memref<80xi32, #tpu.memory_space<vmem>>) semaphore(%run_scoped3A : memref<!tpu.dma_semaphore, #tpu.memory_space<semaphore_mem>>) {add = true}
        %dma_wait3A_416 = arith.constant 0 : i32
        %dma_wait3A_417 = arith.constant 0 : i32
        %dma_wait3A_418 = tpu.memref_slice %arg13[%dma_wait3A_416, %dma_wait3A_417] : memref<10112x128xf32, #tpu.memory_space<vmem_shared>> -> memref<10112x128xf32, #tpu.memory_space<vmem_shared>>
        tpu.wait_indirect_dma semaphore(%run_scoped3A : memref<!tpu.dma_semaphore, #tpu.memory_space<semaphore_mem>>) src(%arg11 : memref<80x128xf32, #tpu.memory_space<vmem>>) dst(%dma_wait3A_418 : memref<10112x128xf32, #tpu.memory_space<vmem_shared>>)
        tpu.yield
      }) : () -> ()
      %add3A_213 = arith.constant 2 : i32
      %add3A_214 = arith.addi %add3A_209, %add3A_213 : i32
      %rem3A = arith.constant 132 : i32
      %rem3A_215 = arith.remsi %add3A_214, %rem3A : i32
      %get3A_216 = arith.index_cast %rem3A_215 : i32 to index
      %get3A_217 = arith.constant 0 : index
      %get3A_218 = tpu.vector_load %arg6[%get3A_216, %get3A_217] {strides = array<i32>} : memref<132x80xi32, #tpu.memory_space<vmem>>, vector<1x16xi32>,
      %get3A_219 = vector.shape_cast %get3A_218 : vector<1x16xi32> to vector<16xi32>
      %and3A_220 = arith.constant 65535 : i32
      %and3A_221 = vector.broadcast %and3A_220 : i32 to vector<16xi32>
      %and3A_222 = arith.andi %get3A_219, %and3A_221 : vector<16xi32>
      %swap3A_223 = arith.constant 0 : index
      %swap3A_224 = tpu.vector_load %arg7[%swap3A_223] {strides = array<i32>} : memref<80xi32, #tpu.memory_space<vmem>>, vector<16xi32>,
      %swap3A_225 = vector.shape_cast %swap3A_224 : vector<16xi32> to vector<16xi32>
      %swap3A_226 = vector.shape_cast %and3A_222 : vector<16xi32> to vector<16xi32>
      tpu.vector_store %arg7[%swap3A_223], %swap3A_226 {strides = array<i32>} : memref<80xi32, #tpu.memory_space<vmem>>, vector<16xi32>,
      %shift_right_logical3A_227 = arith.constant 16 : i32
      %shift_right_logical3A_228 = vector.broadcast %shift_right_logical3A_227 : i32 to vector<16xi32>
      %shift_right_logical3A_229 = arith.shrui %get3A_219, %shift_right_logical3A_228 : vector<16xi32>
      %swap3A_230 = arith.constant 0 : index
      %swap3A_231 = tpu.vector_load %arg9[%swap3A_230] {strides = array<i32>} : memref<80xi32, #tpu.memory_space<vmem>>, vector<16xi32>,
      %swap3A_232 = vector.shape_cast %swap3A_231 : vector<16xi32> to vector<16xi32>
      %swap3A_233 = vector.shape_cast %shift_right_logical3A_229 : vector<16xi32> to vector<16xi32>
      tpu.vector_store %arg9[%swap3A_230], %swap3A_233 {strides = array<i32>} : memref<80xi32, #tpu.memory_space<vmem>>, vector<16xi32>,
      %get3A_234 = arith.index_cast %rem3A_215 : i32 to index
      %get3A_235 = arith.constant 16 : index
      %get3A_236 = tpu.vector_load %arg6[%get3A_234, %get3A_235] {strides = array<i32>} : memref<132x80xi32, #tpu.memory_space<vmem>>, vector<1x16xi32>,
      %get3A_237 = vector.shape_cast %get3A_236 : vector<1x16xi32> to vector<16xi32>
      %and3A_238 = arith.constant 65535 : i32
      %and3A_239 = vector.broadcast %and3A_238 : i32 to vector<16xi32>
      %and3A_240 = arith.andi %get3A_237, %and3A_239 : vector<16xi32>
      %swap3A_241 = arith.constant 16 : index
      %swap3A_242 = tpu.vector_load %arg7[%swap3A_241] {strides = array<i32>} : memref<80xi32, #tpu.memory_space<vmem>>, vector<16xi32>,
      %swap3A_243 = vector.shape_cast %swap3A_242 : vector<16xi32> to vector<16xi32>
      %swap3A_244 = vector.shape_cast %and3A_240 : vector<16xi32> to vector<16xi32>
      tpu.vector_store %arg7[%swap3A_241], %swap3A_244 {strides = array<i32>} : memref<80xi32, #tpu.memory_space<vmem>>, vector<16xi32>,
      %shift_right_logical3A_245 = arith.constant 16 : i32
      %shift_right_logical3A_246 = vector.broadcast %shift_right_logical3A_245 : i32 to vector<16xi32>
      %shift_right_logical3A_247 = arith.shrui %get3A_237, %shift_right_logical3A_246 : vector<16xi32>
      %swap3A_248 = arith.constant 16 : index
      %swap3A_249 = tpu.vector_load %arg9[%swap3A_248] {strides = array<i32>} : memref<80xi32, #tpu.memory_space<vmem>>, vector<16xi32>,
      %swap3A_250 = vector.shape_cast %swap3A_249 : vector<16xi32> to vector<16xi32>
      %swap3A_251 = vector.shape_cast %shift_right_logical3A_247 : vector<16xi32> to vector<16xi32>
      tpu.vector_store %arg9[%swap3A_248], %swap3A_251 {strides = array<i32>} : memref<80xi32, #tpu.memory_space<vmem>>, vector<16xi32>,
      %get3A_252 = arith.index_cast %rem3A_215 : i32 to index
      %get3A_253 = arith.constant 32 : index
      %get3A_254 = tpu.vector_load %arg6[%get3A_252, %get3A_253] {strides = array<i32>} : memref<132x80xi32, #tpu.memory_space<vmem>>, vector<1x16xi32>,
      %get3A_255 = vector.shape_cast %get3A_254 : vector<1x16xi32> to vector<16xi32>
      %and3A_256 = arith.constant 65535 : i32
      %and3A_257 = vector.broadcast %and3A_256 : i32 to vector<16xi32>
      %and3A_258 = arith.andi %get3A_255, %and3A_257 : vector<16xi32>
      %swap3A_259 = arith.constant 32 : index
      %swap3A_260 = tpu.vector_load %arg7[%swap3A_259] {strides = array<i32>} : memref<80xi32, #tpu.memory_space<vmem>>, vector<16xi32>,
      %swap3A_261 = vector.shape_cast %swap3A_260 : vector<16xi32> to vector<16xi32>
      %swap3A_262 = vector.shape_cast %and3A_258 : vector<16xi32> to vector<16xi32>
      tpu.vector_store %arg7[%swap3A_259], %swap3A_262 {strides = array<i32>} : memref<80xi32, #tpu.memory_space<vmem>>, vector<16xi32>,
      %shift_right_logical3A_263 = arith.constant 16 : i32
      %shift_right_logical3A_264 = vector.broadcast %shift_right_logical3A_263 : i32 to vector<16xi32>
      %shift_right_logical3A_265 = arith.shrui %get3A_255, %shift_right_logical3A_264 : vector<16xi32>
      %swap3A_266 = arith.constant 32 : index
      %swap3A_267 = tpu.vector_load %arg9[%swap3A_266] {strides = array<i32>} : memref<80xi32, #tpu.memory_space<vmem>>, vector<16xi32>,
      %swap3A_268 = vector.shape_cast %swap3A_267 : vector<16xi32> to vector<16xi32>
      %swap3A_269 = vector.shape_cast %shift_right_logical3A_265 : vector<16xi32> to vector<16xi32>
      tpu.vector_store %arg9[%swap3A_266], %swap3A_269 {strides = array<i32>} : memref<80xi32, #tpu.memory_space<vmem>>, vector<16xi32>,
      %get3A_270 = arith.index_cast %rem3A_215 : i32 to index
      %get3A_271 = arith.constant 48 : index
      %get3A_272 = tpu.vector_load %arg6[%get3A_270, %get3A_271] {strides = array<i32>} : memref<132x80xi32, #tpu.memory_space<vmem>>, vector<1x16xi32>,
      %get3A_273 = vector.shape_cast %get3A_272 : vector<1x16xi32> to vector<16xi32>
      %and3A_274 = arith.constant 65535 : i32
      %and3A_275 = vector.broadcast %and3A_274 : i32 to vector<16xi32>
      %and3A_276 = arith.andi %get3A_273, %and3A_275 : vector<16xi32>
      %swap3A_277 = arith.constant 48 : index
      %swap3A_278 = tpu.vector_load %arg7[%swap3A_277] {strides = array<i32>} : memref<80xi32, #tpu.memory_space<vmem>>, vector<16xi32>,
      %swap3A_279 = vector.shape_cast %swap3A_278 : vector<16xi32> to vector<16xi32>
      %swap3A_280 = vector.shape_cast %and3A_276 : vector<16xi32> to vector<16xi32>
      tpu.vector_store %arg7[%swap3A_277], %swap3A_280 {strides = array<i32>} : memref<80xi32, #tpu.memory_space<vmem>>, vector<16xi32>,
      %shift_right_logical3A_281 = arith.constant 16 : i32
      %shift_right_logical3A_282 = vector.broadcast %shift_right_logical3A_281 : i32 to vector<16xi32>
      %shift_right_logical3A_283 = arith.shrui %get3A_273, %shift_right_logical3A_282 : vector<16xi32>
      %swap3A_284 = arith.constant 48 : index
      %swap3A_285 = tpu.vector_load %arg9[%swap3A_284] {strides = array<i32>} : memref<80xi32, #tpu.memory_space<vmem>>, vector<16xi32>,
      %swap3A_286 = vector.shape_cast %swap3A_285 : vector<16xi32> to vector<16xi32>
      %swap3A_287 = vector.shape_cast %shift_right_logical3A_283 : vector<16xi32> to vector<16xi32>
      tpu.vector_store %arg9[%swap3A_284], %swap3A_287 {strides = array<i32>} : memref<80xi32, #tpu.memory_space<vmem>>, vector<16xi32>,
      %get3A_288 = arith.index_cast %rem3A_215 : i32 to index
      %get3A_289 = arith.constant 64 : index
      %get3A_290 = tpu.vector_load %arg6[%get3A_288, %get3A_289] {strides = array<i32>} : memref<132x80xi32, #tpu.memory_space<vmem>>, vector<1x16xi32>,
      %get3A_291 = vector.shape_cast %get3A_290 : vector<1x16xi32> to vector<16xi32>
      %and3A_292 = arith.constant 65535 : i32
      %and3A_293 = vector.broadcast %and3A_292 : i32 to vector<16xi32>
      %and3A_294 = arith.andi %get3A_291, %and3A_293 : vector<16xi32>
      %swap3A_295 = arith.constant 64 : index
      %swap3A_296 = tpu.vector_load %arg7[%swap3A_295] {strides = array<i32>} : memref<80xi32, #tpu.memory_space<vmem>>, vector<16xi32>,
      %swap3A_297 = vector.shape_cast %swap3A_296 : vector<16xi32> to vector<16xi32>
      %swap3A_298 = vector.shape_cast %and3A_294 : vector<16xi32> to vector<16xi32>
      tpu.vector_store %arg7[%swap3A_295], %swap3A_298 {strides = array<i32>} : memref<80xi32, #tpu.memory_space<vmem>>, vector<16xi32>,
      %shift_right_logical3A_299 = arith.constant 16 : i32
      %shift_right_logical3A_300 = vector.broadcast %shift_right_logical3A_299 : i32 to vector<16xi32>
      %shift_right_logical3A_301 = arith.shrui %get3A_291, %shift_right_logical3A_300 : vector<16xi32>
      %swap3A_302 = arith.constant 64 : index
      %swap3A_303 = tpu.vector_load %arg9[%swap3A_302] {strides = array<i32>} : memref<80xi32, #tpu.memory_space<vmem>>, vector<16xi32>,
      %swap3A_304 = vector.shape_cast %swap3A_303 : vector<16xi32> to vector<16xi32>
      %swap3A_305 = vector.shape_cast %shift_right_logical3A_301 : vector<16xi32> to vector<16xi32>
      tpu.vector_store %arg9[%swap3A_302], %swap3A_305 {strides = array<i32>} : memref<80xi32, #tpu.memory_space<vmem>>, vector<16xi32>,
      %dma_start3A_306 = arith.constant 0 : i32
      %dma_start3A_307 = arith.constant 0 : i32
      %dma_start3A_308 = tpu.memref_slice %arg2[%dma_start3A_306, %dma_start3A_307] : memref<10000x128xf32, #tpu.memory_space<hbm>> -> memref<10000x128xf32, #tpu.memory_space<hbm>>
      tpu.enqueue_indirect_dma source(%dma_start3A_308 : memref<10000x128xf32, #tpu.memory_space<hbm>>) target(%arg11 : memref<80x128xf32, #tpu.memory_space<vmem>>) offsets(%arg7 : memref<80xi32, #tpu.memory_space<vmem>>) semaphore(%arg14 : memref<!tpu.dma_semaphore, #tpu.memory_space<semaphore_mem>>)
      %mul3A_309 = arith.constant 2 : i32
      %mul3A_310 = arith.muli %scan3A_205, %mul3A_309 : i32
      %add3A_311 = arith.constant 1 : i32
      %add3A_312 = arith.addi %mul3A_310, %add3A_311 : i32
      %dma_wait3A_313 = arith.constant 0 : i32
      %dma_wait3A_314 = arith.constant 0 : i32
      %dma_wait3A_315 = tpu.memref_slice %arg2[%dma_wait3A_313, %dma_wait3A_314] : memref<10000x128xf32, #tpu.memory_space<hbm>> -> memref<10000x128xf32, #tpu.memory_space<hbm>>
      tpu.wait_indirect_dma semaphore(%arg15 : memref<!tpu.dma_semaphore, #tpu.memory_space<semaphore_mem>>) src(%dma_wait3A_315 : memref<10000x128xf32, #tpu.memory_space<hbm>>) dst(%arg12 : memref<80x128xf32, #tpu.memory_space<vmem>>)
      "tpu.region"() ({
        %run_scoped3A = tpu.sem_alloc : memref<!tpu.dma_semaphore, #tpu.memory_space<semaphore_mem>>
        %dma_start3A_413 = arith.constant 0 : i32
        %dma_start3A_414 = arith.constant 0 : i32
        %dma_start3A_415 = tpu.memref_slice %arg13[%dma_start3A_413, %dma_start3A_414] : memref<10112x128xf32, #tpu.memory_space<vmem_shared>> -> memref<10112x128xf32, #tpu.memory_space<vmem_shared>>
        tpu.enqueue_indirect_dma source(%arg12 : memref<80x128xf32, #tpu.memory_space<vmem>>) target(%dma_start3A_415 : memref<10112x128xf32, #tpu.memory_space<vmem_shared>>) offsets(%arg10 : memref<80xi32, #tpu.memory_space<vmem>>) semaphore(%run_scoped3A : memref<!tpu.dma_semaphore, #tpu.memory_space<semaphore_mem>>) {add = true}
        %dma_wait3A_416 = arith.constant 0 : i32
        %dma_wait3A_417 = arith.constant 0 : i32
        %dma_wait3A_418 = tpu.memref_slice %arg13[%dma_wait3A_416, %dma_wait3A_417] : memref<10112x128xf32, #tpu.memory_space<vmem_shared>> -> memref<10112x128xf32, #tpu.memory_space<vmem_shared>>
        tpu.wait_indirect_dma semaphore(%run_scoped3A : memref<!tpu.dma_semaphore, #tpu.memory_space<semaphore_mem>>) src(%arg12 : memref<80x128xf32, #tpu.memory_space<vmem>>) dst(%dma_wait3A_418 : memref<10112x128xf32, #tpu.memory_space<vmem_shared>>)
        tpu.yield
      }) : () -> ()
      %add3A_316 = arith.constant 2 : i32
      %add3A_317 = arith.addi %add3A_312, %add3A_316 : i32
      %rem3A_318 = arith.constant 132 : i32
      %rem3A_319 = arith.remsi %add3A_317, %rem3A_318 : i32
      %get3A_320 = arith.index_cast %rem3A_319 : i32 to index
      %get3A_321 = arith.constant 0 : index
      %get3A_322 = tpu.vector_load %arg6[%get3A_320, %get3A_321] {strides = array<i32>} : memref<132x80xi32, #tpu.memory_space<vmem>>, vector<1x16xi32>,
      %get3A_323 = vector.shape_cast %get3A_322 : vector<1x16xi32> to vector<16xi32>
      %and3A_324 = arith.constant 65535 : i32
      %and3A_325 = vector.broadcast %and3A_324 : i32 to vector<16xi32>
      %and3A_326 = arith.andi %get3A_323, %and3A_325 : vector<16xi32>
      %swap3A_327 = arith.constant 0 : index
      %swap3A_328 = tpu.vector_load %arg8[%swap3A_327] {strides = array<i32>} : memref<80xi32, #tpu.memory_space<vmem>>, vector<16xi32>,
      %swap3A_329 = vector.shape_cast %swap3A_328 : vector<16xi32> to vector<16xi32>
      %swap3A_330 = vector.shape_cast %and3A_326 : vector<16xi32> to vector<16xi32>
      tpu.vector_store %arg8[%swap3A_327], %swap3A_330 {strides = array<i32>} : memref<80xi32, #tpu.memory_space<vmem>>, vector<16xi32>,
      %shift_right_logical3A_331 = arith.constant 16 : i32
      %shift_right_logical3A_332 = vector.broadcast %shift_right_logical3A_331 : i32 to vector<16xi32>
      %shift_right_logical3A_333 = arith.shrui %get3A_323, %shift_right_logical3A_332 : vector<16xi32>
      %swap3A_334 = arith.constant 0 : index
      %swap3A_335 = tpu.vector_load %arg10[%swap3A_334] {strides = array<i32>} : memref<80xi32, #tpu.memory_space<vmem>>, vector<16xi32>,
      %swap3A_336 = vector.shape_cast %swap3A_335 : vector<16xi32> to vector<16xi32>
      %swap3A_337 = vector.shape_cast %shift_right_logical3A_333 : vector<16xi32> to vector<16xi32>
      tpu.vector_store %arg10[%swap3A_334], %swap3A_337 {strides = array<i32>} : memref<80xi32, #tpu.memory_space<vmem>>, vector<16xi32>,
      %get3A_338 = arith.index_cast %rem3A_319 : i32 to index
      %get3A_339 = arith.constant 16 : index
      %get3A_340 = tpu.vector_load %arg6[%get3A_338, %get3A_339] {strides = array<i32>} : memref<132x80xi32, #tpu.memory_space<vmem>>, vector<1x16xi32>,
      %get3A_341 = vector.shape_cast %get3A_340 : vector<1x16xi32> to vector<16xi32>
      %and3A_342 = arith.constant 65535 : i32
      %and3A_343 = vector.broadcast %and3A_342 : i32 to vector<16xi32>
      %and3A_344 = arith.andi %get3A_341, %and3A_343 : vector<16xi32>
      %swap3A_345 = arith.constant 16 : index
      %swap3A_346 = tpu.vector_load %arg8[%swap3A_345] {strides = array<i32>} : memref<80xi32, #tpu.memory_space<vmem>>, vector<16xi32>,
      %swap3A_347 = vector.shape_cast %swap3A_346 : vector<16xi32> to vector<16xi32>
      %swap3A_348 = vector.shape_cast %and3A_344 : vector<16xi32> to vector<16xi32>
      tpu.vector_store %arg8[%swap3A_345], %swap3A_348 {strides = array<i32>} : memref<80xi32, #tpu.memory_space<vmem>>, vector<16xi32>,
      %shift_right_logical3A_349 = arith.constant 16 : i32
      %shift_right_logical3A_350 = vector.broadcast %shift_right_logical3A_349 : i32 to vector<16xi32>
      %shift_right_logical3A_351 = arith.shrui %get3A_341, %shift_right_logical3A_350 : vector<16xi32>
      %swap3A_352 = arith.constant 16 : index
      %swap3A_353 = tpu.vector_load %arg10[%swap3A_352] {strides = array<i32>} : memref<80xi32, #tpu.memory_space<vmem>>, vector<16xi32>,
      %swap3A_354 = vector.shape_cast %swap3A_353 : vector<16xi32> to vector<16xi32>
      %swap3A_355 = vector.shape_cast %shift_right_logical3A_351 : vector<16xi32> to vector<16xi32>
      tpu.vector_store %arg10[%swap3A_352], %swap3A_355 {strides = array<i32>} : memref<80xi32, #tpu.memory_space<vmem>>, vector<16xi32>,
      %get3A_356 = arith.index_cast %rem3A_319 : i32 to index
      %get3A_357 = arith.constant 32 : index
      %get3A_358 = tpu.vector_load %arg6[%get3A_356, %get3A_357] {strides = array<i32>} : memref<132x80xi32, #tpu.memory_space<vmem>>, vector<1x16xi32>,
      %get3A_359 = vector.shape_cast %get3A_358 : vector<1x16xi32> to vector<16xi32>
      %and3A_360 = arith.constant 65535 : i32
      %and3A_361 = vector.broadcast %and3A_360 : i32 to vector<16xi32>
      %and3A_362 = arith.andi %get3A_359, %and3A_361 : vector<16xi32>
      %swap3A_363 = arith.constant 32 : index
      %swap3A_364 = tpu.vector_load %arg8[%swap3A_363] {strides = array<i32>} : memref<80xi32, #tpu.memory_space<vmem>>, vector<16xi32>,
      %swap3A_365 = vector.shape_cast %swap3A_364 : vector<16xi32> to vector<16xi32>
      %swap3A_366 = vector.shape_cast %and3A_362 : vector<16xi32> to vector<16xi32>
      tpu.vector_store %arg8[%swap3A_363], %swap3A_366 {strides = array<i32>} : memref<80xi32, #tpu.memory_space<vmem>>, vector<16xi32>,
      %shift_right_logical3A_367 = arith.constant 16 : i32
      %shift_right_logical3A_368 = vector.broadcast %shift_right_logical3A_367 : i32 to vector<16xi32>
      %shift_right_logical3A_369 = arith.shrui %get3A_359, %shift_right_logical3A_368 : vector<16xi32>
      %swap3A_370 = arith.constant 32 : index
      %swap3A_371 = tpu.vector_load %arg10[%swap3A_370] {strides = array<i32>} : memref<80xi32, #tpu.memory_space<vmem>>, vector<16xi32>,
      %swap3A_372 = vector.shape_cast %swap3A_371 : vector<16xi32> to vector<16xi32>
      %swap3A_373 = vector.shape_cast %shift_right_logical3A_369 : vector<16xi32> to vector<16xi32>
      tpu.vector_store %arg10[%swap3A_370], %swap3A_373 {strides = array<i32>} : memref<80xi32, #tpu.memory_space<vmem>>, vector<16xi32>,
      %get3A_374 = arith.index_cast %rem3A_319 : i32 to index
      %get3A_375 = arith.constant 48 : index
      %get3A_376 = tpu.vector_load %arg6[%get3A_374, %get3A_375] {strides = array<i32>} : memref<132x80xi32, #tpu.memory_space<vmem>>, vector<1x16xi32>,
      %get3A_377 = vector.shape_cast %get3A_376 : vector<1x16xi32> to vector<16xi32>
      %and3A_378 = arith.constant 65535 : i32
      %and3A_379 = vector.broadcast %and3A_378 : i32 to vector<16xi32>
      %and3A_380 = arith.andi %get3A_377, %and3A_379 : vector<16xi32>
      %swap3A_381 = arith.constant 48 : index
      %swap3A_382 = tpu.vector_load %arg8[%swap3A_381] {strides = array<i32>} : memref<80xi32, #tpu.memory_space<vmem>>, vector<16xi32>,
      %swap3A_383 = vector.shape_cast %swap3A_382 : vector<16xi32> to vector<16xi32>
      %swap3A_384 = vector.shape_cast %and3A_380 : vector<16xi32> to vector<16xi32>
      tpu.vector_store %arg8[%swap3A_381], %swap3A_384 {strides = array<i32>} : memref<80xi32, #tpu.memory_space<vmem>>, vector<16xi32>,
      %shift_right_logical3A_385 = arith.constant 16 : i32
      %shift_right_logical3A_386 = vector.broadcast %shift_right_logical3A_385 : i32 to vector<16xi32>
      %shift_right_logical3A_387 = arith.shrui %get3A_377, %shift_right_logical3A_386 : vector<16xi32>
      %swap3A_388 = arith.constant 48 : index
      %swap3A_389 = tpu.vector_load %arg10[%swap3A_388] {strides = array<i32>} : memref<80xi32, #tpu.memory_space<vmem>>, vector<16xi32>,
      %swap3A_390 = vector.shape_cast %swap3A_389 : vector<16xi32> to vector<16xi32>
      %swap3A_391 = vector.shape_cast %shift_right_logical3A_387 : vector<16xi32> to vector<16xi32>
      tpu.vector_store %arg10[%swap3A_388], %swap3A_391 {strides = array<i32>} : memref<80xi32, #tpu.memory_space<vmem>>, vector<16xi32>,
      %get3A_392 = arith.index_cast %rem3A_319 : i32 to index
      %get3A_393 = arith.constant 64 : index
      %get3A_394 = tpu.vector_load %arg6[%get3A_392, %get3A_393] {strides = array<i32>} : memref<132x80xi32, #tpu.memory_space<vmem>>, vector<1x16xi32>,
      %get3A_395 = vector.shape_cast %get3A_394 : vector<1x16xi32> to vector<16xi32>
      %and3A_396 = arith.constant 65535 : i32
      %and3A_397 = vector.broadcast %and3A_396 : i32 to vector<16xi32>
      %and3A_398 = arith.andi %get3A_395, %and3A_397 : vector<16xi32>
      %swap3A_399 = arith.constant 64 : index
      %swap3A_400 = tpu.vector_load %arg8[%swap3A_399] {strides = array<i32>} : memref<80xi32, #tpu.memory_space<vmem>>, vector<16xi32>,
      %swap3A_401 = vector.shape_cast %swap3A_400 : vector<16xi32> to vector<16xi32>
      %swap3A_402 = vector.shape_cast %and3A_398 : vector<16xi32> to vector<16xi32>
      tpu.vector_store %arg8[%swap3A_399], %swap3A_402 {strides = array<i32>} : memref<80xi32, #tpu.memory_space<vmem>>, vector<16xi32>,
      %shift_right_logical3A_403 = arith.constant 16 : i32
      %shift_right_logical3A_404 = vector.broadcast %shift_right_logical3A_403 : i32 to vector<16xi32>
      %shift_right_logical3A_405 = arith.shrui %get3A_395, %shift_right_logical3A_404 : vector<16xi32>
      %swap3A_406 = arith.constant 64 : index
      %swap3A_407 = tpu.vector_load %arg10[%swap3A_406] {strides = array<i32>} : memref<80xi32, #tpu.memory_space<vmem>>, vector<16xi32>,
      %swap3A_408 = vector.shape_cast %swap3A_407 : vector<16xi32> to vector<16xi32>
      %swap3A_409 = vector.shape_cast %shift_right_logical3A_405 : vector<16xi32> to vector<16xi32>
      tpu.vector_store %arg10[%swap3A_406], %swap3A_409 {strides = array<i32>} : memref<80xi32, #tpu.memory_space<vmem>>, vector<16xi32>,
      %dma_start3A_410 = arith.constant 0 : i32
      %dma_start3A_411 = arith.constant 0 : i32
      %dma_start3A_412 = tpu.memref_slice %arg2[%dma_start3A_410, %dma_start3A_411] : memref<10000x128xf32, #tpu.memory_space<hbm>> -> memref<10000x128xf32, #tpu.memory_space<hbm>>
      tpu.enqueue_indirect_dma source(%dma_start3A_412 : memref<10000x128xf32, #tpu.memory_space<hbm>>) target(%arg12 : memref<80x128xf32, #tpu.memory_space<vmem>>) offsets(%arg8 : memref<80xi32, #tpu.memory_space<vmem>>) semaphore(%arg15 : memref<!tpu.dma_semaphore, #tpu.memory_space<semaphore_mem>>)
    }
    %scan3A_198 = arith.constant 66 : i32
    %dma_wait3A = arith.constant 0 : i32
    %dma_wait3A_199 = arith.constant 0 : i32
    %dma_wait3A_200 = tpu.memref_slice %arg2[%dma_wait3A, %dma_wait3A_199] : memref<10000x128xf32, #tpu.memory_space<hbm>> -> memref<10000x128xf32, #tpu.memory_space<hbm>>
    tpu.wait_indirect_dma semaphore(%arg14 : memref<!tpu.dma_semaphore, #tpu.memory_space<semaphore_mem>>) src(%dma_wait3A_200 : memref<10000x128xf32, #tpu.memory_space<hbm>>) dst(%arg11 : memref<80x128xf32, #tpu.memory_space<vmem>>)
    %dma_wait3A_201 = arith.constant 0 : i32
    %dma_wait3A_202 = arith.constant 0 : i32
    %dma_wait3A_203 = tpu.memref_slice %arg2[%dma_wait3A_201, %dma_wait3A_202] : memref<10000x128xf32, #tpu.memory_space<hbm>> -> memref<10000x128xf32, #tpu.memory_space<hbm>>
    tpu.wait_indirect_dma semaphore(%arg15 : memref<!tpu.dma_semaphore, #tpu.memory_space<semaphore_mem>>) src(%dma_wait3A_203 : memref<10000x128xf32, #tpu.memory_space<hbm>>) dst(%arg12 : memref<80x128xf32, #tpu.memory_space<vmem>>)
    %barrier3A_204 = arith.constant 0 : index
    tpu.barrier barrier_id(%barrier3A_204)
    "tpu.region"() ({
      %run_scoped3A = tpu.sem_alloc : memref<!tpu.dma_semaphore, #tpu.memory_space<semaphore_mem>>
      %dma_start3A_205 = arith.constant 0 : i32
      %dma_start3A_206 = tpu.memref_slice %arg5[%arg0, %mul3A_2, %dma_start3A_205] : memref<2x10112x128xf32, #tpu.memory_space<hbm>> -> memref<1x632x128xf32, #tpu.memory_space<hbm>>
      %dma_start3A_207 = tpu.memref_squeeze %dma_start3A_206 : memref<1x632x128xf32, #tpu.memory_space<hbm>> -> memref<632x128xf32, #tpu.memory_space<hbm>>
      %dma_start3A_208 = arith.constant 0 : i32
      %dma_start3A_209 = tpu.memref_slice %arg13[%mul3A_2, %dma_start3A_208] : memref<10112x128xf32, #tpu.memory_space<vmem_shared>> -> memref<632x128xf32, #tpu.memory_space<vmem_shared>>
      tpu.enqueue_dma source(%dma_start3A_209 : memref<632x128xf32, #tpu.memory_space<vmem_shared>>) target(%dma_start3A_207 : memref<632x128xf32, #tpu.memory_space<hbm>>) target_semaphore(%run_scoped3A : memref<!tpu.dma_semaphore, #tpu.memory_space<semaphore_mem>>)
      %dma_wait3A_210 = arith.constant 0 : i32
      %dma_wait3A_211 = tpu.memref_slice %arg5[%arg0, %mul3A_2, %dma_wait3A_210] : memref<2x10112x128xf32, #tpu.memory_space<hbm>> -> memref<1x632x128xf32, #tpu.memory_space<hbm>>
      %dma_wait3A_212 = tpu.memref_squeeze %dma_wait3A_211 : memref<1x632x128xf32, #tpu.memory_space<hbm>> -> memref<632x128xf32, #tpu.memory_space<hbm>>
      %dma_wait3A_213 = arith.constant 0 : i32
      %dma_wait3A_214 = tpu.memref_slice %arg13[%mul3A_2, %dma_wait3A_213] : memref<10112x128xf32, #tpu.memory_space<vmem_shared>> -> memref<632x128xf32, #tpu.memory_space<vmem_shared>>
      tpu.wait_dma2 semaphore(%run_scoped3A : memref<!tpu.dma_semaphore, #tpu.memory_space<semaphore_mem>>) src(%dma_wait3A_214 : memref<632x128xf32, #tpu.memory_space<vmem_shared>>) dst(%dma_wait3A_212 : memref<632x128xf32, #tpu.memory_space<hbm>>)
      tpu.yield
    }) : () -> ()
    return
  }
}

</mosaic_0001>

<sc_bundles>
// kernel: _segment_sum_sc.3.cloned.1.call-start
scs
__scs_entry_jumppad:
0x0: {  	(pc) =	sbr.rel $0x88, $3  }
0x1: {  	(tag) =	ssettag $0x0;
	lr =	simm.s32 $0x1  }
0x2: {  	[smem:$0x3F9E] =	sst lr;
	_ =	strace $0xD0000000  }
0x3: {  	_ = 	snop  }
0x4: {  	_ = 	snop  }
0x5: {  	_ = 	snop  }
0x6: {  	_ = 	snop  }
0x7: {  	_ = 	snop  }
__scs_overlays_trampoline_lowered:
0x8: {  	[smem:$0x3FAD] =	sst s0  }
0x9: {  	[smem:$0x3FAE] =	sst s1  }
0xa: {  	[smem:$0x3FAF] =	sst s2  }
0xb: {  	[smem:$0x3FB0] =	sst s3  }
0xc: {  	[smem:$0x3FB1] =	sst s4  }
0xd: {  	[smem:$0x3FB2] =	sst s5  }
0xe: {  	[smem:$0x3FB3] =	sst s6  }
0xf: {  	[smem:$0x3FB4] =	sst s7  }
0x10: {  	[smem:$0x3FB5] =	sst s8  }
0x11: {  	[smem:$0x3FB6] =	sst s9;
	s0 =	simm.s32 @!p0 $0x0  }
0x12: {  	s1 =	sld [smem:$0x3F9C];
	s0 =	simm.s32 @p0 $0x1  }
0x13: {  	[smem:$0x3FB7] =	sst s0;
	s0 =	simm.s32 @!p1 $0x0  }
0x14: {  	s2 =	sld [smem:$0x3F9B];
	s0 =	simm.s32 @p1 $0x1  }
0x15: {  	[smem:$0x3FB8] =	sst s0;
	s0 =	simm.s32 @!p2 $0x0  }
0x16: {  	s3 =	sld [smem:$0x3FDB];
	s0 =	simm.s32 @p2 $0x1  }
0x17: {  	s4 =	simm.s32 $0x1BF5;
	[smem:$0x3FBA] =	sst s0  }
0x18: {  	s0 =	sld [smem:$0x3F9D];
	_ =	swait.ge [sflag:s4], $0x0  }
0x19: {  	s7 =	sld [smem:$0x3F9E]  }
0x1a: {  	s8 =	sadd.s32 $0xFFFFE003, lr  }
0x1b: {  	s9 =	sadd.s32 $0xFFFFFEF7, lr;
	s5 =	simm.s32 $0xFFFFFFFF;
	p2 =	slt.u32 s8, $0xFFFFF086  }
0x1c: {  	p1 =	slt.u32 s9, $0xF7A;
	s5 =	simm.s32 @!p2 $0x0  }
0x1d: {  	s5 =	simm.s32 @p1 $0x1;
	p0 =	seq.s32 s7, s2  }
0x1e: {  	s7 =	smul.u32 @!p0 $0xF7A, s2;
	p2 =	seq.s32 @!p0 s5, $0x0  }
0x1f: {  	s9 =	smul.u32 $0xF7A, s1;
	s8 =	simm.s32 @!p0 $0x1BF5;
	p2 =	por !p2, p0  }
0x20: {  	[sflag:s8] =	ssyncset.s32 @!p0 $0xFFFFF086;
	s6 =	sadd.s32 @!p0 s3, s7;
	s7 =	simm.s32 @!p0 $0x108  }
0x21: {  	s3 =	sadd.s32 s3, s9;
	s6 =	sadd.s32 @!p0 $0x88, s6;
	s7 =	simm.s32 @p2 $0x1082  }
0x22: {  	[simem:s7], [sflag:s8] =	dma.local @!p0 [hbm:s6], $0xF7A  }
0x23: {  	s9 =	sor.u32 $0xD0000000, s2;
	s6 =	simm.s32 $0x108;
	_ =	swait.ge @!p0 [sflag:s8], $0x0  }
0x24: {  	s3 =	sadd.s32 $0x88, s3;
	s6 =	simm.s32 @!p1 $0x1082;
	[sflag:s4] =	ssyncset.s32 $0xFFFFF086  }
0x25: {  	[simem:s6], [sflag:s4] =	dma.local [hbm:s3], $0xF7A  }
0x26: {  	[smem:$0x3F9E] =	sst s1;
	(tag) =	ssettag s2;
	_ =	strace s9  }
0x27: {  	s1 =	sld [smem:$0x3FAE]  }
0x28: {  	s2 =	sld [smem:$0x3FAF]  }
0x29: {  	s4 =	sld [smem:$0x3FB1]  }
0x2a: {  	p0 =	seq.s32 s5, $0x0;
	s5 =	sld [smem:$0x3FB2]  }
0x2b: {  	s6 =	sld [smem:$0x3FB3]  }
0x2c: {  	s7 =	sld [smem:$0x3FB4]  }
0x2d: {  	s3 =	simm.s32 $0x108;
	s8 =	sld [smem:$0x3FB5]  }
0x2e: {  	s3 =	simm.s32 @!p0 $0x1082;
	s9 =	sld [smem:$0x3FB6]  }
0x2f: {  	lr =	sadd.s32 s0, s3;
	s0 =	sld [smem:$0x3FAD]  }
0x30: {  	s3 =	sld [smem:$0x3FB0]  }
0x31: {  	[smem:$0x3FB9] =	sst s10  }
0x32: {  	s10 =	sld [smem:$0x3FB7];
	_ =	sdelay $0x3  }
0x33: {  	p0 =	seq.s32 s10, $0x1;
	s10 =	sld [smem:$0x3FB9];
	_ =	sdelay $0x3  }
0x34: {  	[smem:$0x3FB9] =	sst s10  }
0x35: {  	s10 =	sld [smem:$0x3FB8];
	_ =	sdelay $0x3  }
0x36: {  	p1 =	seq.s32 s10, $0x1;
	s10 =	sld [smem:$0x3FB9];
	_ =	sdelay $0x3  }
0x37: {  	[smem:$0x3FB9] =	sst s10  }
0x38: {  	s10 =	sld [smem:$0x3FBA]  }
0x39: {  	_ = 	snop;
	(pc) =	sbr.ind lr, $3  }
0x3a: {  	_ = 	snop  }
0x3b: {  	_ = 	snop  }
0x3c: {  	p2 =	seq.s32 s10, $0x1;
	s10 =	sld [smem:$0x3FB9]  }
0x3d: {  	_ =	shalt  }
0x3e: {  	_ =	shalt  }
0x3f: {  	_ =	shalt  }
0x40: {  	_ =	shalt  }
0x41: {  	_ =	shalt  }
0x42: {  	_ =	shalt  }
0x43: {  	_ =	shalt  }
0x44: {  	_ =	shalt  }
0x45: {  	_ =	shalt  }
0x46: {  	_ =	shalt  }
0x47: {  	_ =	shalt  }
0x48: {  	_ =	shalt  }
0x49: {  	_ =	shalt  }
0x4a: {  	_ =	shalt  }
0x4b: {  	_ =	shalt  }
0x4c: {  	_ =	shalt  }
0x4d: {  	_ =	shalt  }
0x4e: {  	_ =	shalt  }
0x4f: {  	_ =	shalt  }
0x50: {  	_ =	shalt  }
0x51: {  	_ =	shalt  }
0x52: {  	_ =	shalt  }
0x53: {  	_ =	shalt  }
0x54: {  	_ =	shalt  }
0x55: {  	_ =	shalt  }
0x56: {  	_ =	shalt  }
0x57: {  	_ =	shalt  }
0x58: {  	_ =	shalt  }
0x59: {  	_ =	shalt  }
0x5a: {  	_ =	shalt  }
0x5b: {  	_ =	shalt  }
0x5c: {  	_ =	shalt  }
0x5d: {  	_ =	shalt  }
0x5e: {  	_ =	shalt  }
0x5f: {  	_ =	shalt  }
0x60: {  	_ =	shalt  }
0x61: {  	_ =	shalt  }
0x62: {  	_ =	shalt  }
0x63: {  	_ =	shalt  }
0x64: {  	_ =	shalt  }
0x65: {  	_ =	shalt  }
0x66: {  	_ =	shalt  }
0x67: {  	_ =	shalt  }
0x68: {  	_ =	shalt  }
0x69: {  	_ =	shalt  }
0x6a: {  	_ =	shalt  }
0x6b: {  	_ =	shalt  }
0x6c: {  	_ =	shalt  }
0x6d: {  	_ =	shalt  }
0x6e: {  	_ =	shalt  }
0x6f: {  	_ =	shalt  }
0x70: {  	_ =	shalt  }
0x71: {  	_ =	shalt  }
0x72: {  	_ =	shalt  }
0x73: {  	_ =	shalt  }
0x74: {  	_ =	shalt  }
0x75: {  	_ =	shalt  }
0x76: {  	_ =	shalt  }
0x77: {  	_ =	shalt  }
0x78: {  	_ =	shalt  }
0x79: {  	_ =	shalt  }
0x7a: {  	_ =	shalt  }
0x7b: {  	_ =	shalt  }
0x7c: {  	_ =	shalt  }
0x7d: {  	_ =	shalt  }
0x7e: {  	_ =	shalt  }
0x7f: {  	_ =	shalt  }
0x80: {  	_ =	shalt  }
0x81: {  	_ =	shalt  }
0x82: {  	_ =	shalt  }
0x83: {  	_ =	shalt  }
0x84: {  	_ =	shalt  }
0x85: {  	_ =	shalt  }
0x86: {  	_ =	shalt  }
0x87: {  	_ =	shalt  }
.Lfunc_end0:
.L_simem_size_0:
called_computation_lowered:
.L_overlay_start_0:
0x88: {  	s2 =	sld [smem:$0x3FD9]  }
0x89: {  	s3 =	sld [smem:$0x3FFE];
	_ =	sdelay $0x1  }
0x8a: {  	s1 =	srdreg.scid  }
0x8b: {  	s0 =	sand.u32 $0x1, s1  }
0x8c: {  	s17 =	sshll.u32 s0, $0xA;
	s2 =	sadd.s32 s3, s2  }
0x8d: {  	s2 =	sadd.s32 s2, s17  }
0x8e: {  	[smem:$0x3FC5] =	sst s2  }
0x8f: {  	_ = 	snop  }
0x90: {  	s2 =	sld [smem:$0x3FC9]  }
0x91: {  	s18 =	sld [smem:$0x3FC7]  }
0x92: {  	s4 =	sld [smem:$0x3FD0];
	(tm) =	ssettm $0x1  }
0x93: {  	s5 =	sld [smem:$0x3FFB];
	_ =	sdelay $0x3  }
0x94: {  	_ =	strace s5  }
0x95: {  	s5 =	sld [smem:$0x3FFC];
	_ =	sdelay $0x3  }
0x96: {  	_ =	strace s5  }
0x97: {  	s5 =	sld [smem:$0x3FFD];
	_ =	sdelay $0x3  }
0x98: {  	_ =	strace s5  }
0x99: {  	_ =	strace $0x8FFFFFFF  }
0x9a: {  	s19 =	sld [smem:$0x3FDB];
	_ =	sdelay $0x1  }
0x9b: {  	s6 =	simm.s32 $_scs_section_size  }
0x9c: {  	s7 =	simm.s32 $_size__tile_overlayer_lowered;
	s8 =	simm.s32 $_tile_overlayer_lowered  }
0x9d: {  	s22 =	simm.s32 $0x1BFF;
	s21 =	sshll.u32 s8, $0x1;
	s5 =	sadd.s32 s6, s19  }
0x9e: {  	s9 =	simm.s32 $0x0;
	s20 =	sshll.u32 s7, $0x1;
	s7 =	sadd.s32 s21, s5  }
0x9f: {  	[timem:s9], [sflag:s22] =	dma.local [hbm:s7], s20  }
0xa0: {  	_ =	swait.ge [sflag:s22], s20  }
0xa1: {  	s6 =	ssub.s32 $0x0, s20;
	[sflag:s22] =	ssyncset.done $0x0  }
0xa2: {  	[sflag:s22] =	ssyncadd.s32 s6;
	_ =	sdelay $0x1  }
0xa3: {  	s23 =	simm.s32 $0x1B8B  }
0xa4: {  	_ =	swait.ge [sflag:s23], $0x1  }
0xa5: {  	[sflag:s23] =	ssyncset.done $0x0  }
0xa6: {  	s25 =	simm.s32 $0x1B8E;
	s24 =	sld [smem:$0x3FFE];
	[sflag:s23] =	ssyncadd.s32 $0xFFFFFFFF  }
0xa7: {  	s26 =	simm.s32 $execute0_lowered;
	[smem:$0x3FD2] =	sst s25  }
0xa8: {  	s7 =	sshll.u32 s26, $0x1;
	_ =	strace $0x80000046;
	[dreg:$0x1] =	wrdreg $0xFFFFFFFF  }
0xa9: {  	s28 =	simm.s32 $_size_execute0_lowered;
	s5 =	sadd.s32 s5, s7;
	[dreg:$0x0] =	wrdreg $0x0  }
0xaa: {  	s7 =	sshll.u32 s28, $0x1;
	[dreg:$0x2] =	wrdreg s5  }
0xab: {  	[dreg:$0x3] =	wrdreg s7  }
0xac: {  	[dreg:$0x4] =	wrdreg $0xC0  }
0xad: {  	_ =	task [dreg:s9], $0x5FFFF  }
0xae: {  	[dreg:$0x1] =	wrdreg $0xFFFFFFFF  }
0xaf: {  	[dreg:$0x0] =	wrdreg $0x60  }
0xb0: {  	[dreg:$0x2] =	wrdreg s2  }
0xb1: {  	[dreg:$0x3] =	wrdreg s24  }
0xb2: {  	[dreg:$0x4] =	wrdreg s18  }
0xb3: {  	[dreg:$0x5] =	wrdreg s4  }
0xb4: {  	[dreg:$0x6] =	wrdreg $0x96000  }
0xb5: {  	[dreg:$0x7] =	wrdreg $0x9  }
0xb6: {  	_ =	task.clear_ibuf [dreg:s9], $0x8FFFF;
	_ =	strace $0x90000046  }
0xb7: {  	s29 =	simm.s32 $0x9;
	_ =	strace $0x80000048  }
0xb8: {  	_ =	swait.ge [sflag:s29], $0x1  }
0xb9: {  	[sflag:s29] =	ssyncadd.s32 $0xFFFFFFFF  }
0xba: {  	_ =	strace $0x90000048  }
0xbb: {  	_ =	sfence  }
0xbc: {  	s30 =	sld [smem:$0x0];
	_ =	sdelay $0x2  }
0xbd: {  	s31 =	sshll.u32 s1, $0xD;
	s1 =	sshrl.u32 s1, $0x2  }
0xbe: {  	s3 =	sand.u32 $0x4000, s31;
	s1 =	sadd.s32 s1, s30  }
0xbf: {  	s0 =	sor.u32 s3, s0;
	s1 =	sshll.u32 s1, $0x11  }
0xc0: {  	s0 =	sor.u32 s1, s0  }
0xc1: {  	s0 =	sadd.s32 $0x8F2B, s0  }
0xc2: {  	[sflag:s0] =	ssyncadd.remote.s32 $0x1  }
0xc3: {  	_ =	sfence.sel $0xFFFF  }
0xc4: {  	[dreg:$0x0] =	wrdreg $0xFFFFFFFF;
	(pc) =	sbr.abs _section_cstart, $3  }
0xc5: {  	[dreg:$0x1] =	wrdreg $0xFFFFFFFF  }
0xc6: {  	_ =	task.clear_ibuf [dreg:s9], $0x2FFFF;
	_ =	strace $0x9FFFFFFF  }
0xc7: {  	(tm) =	ssettm $0x7FFFFFFF  }
tec
execute0_lowered:
.L_overlay_start_1:
0x0: {  	(tag) =	ssettag $0x1  }
0x1: {  	s1 =	rddreg [dreg:$0x0]  }
0x2: {  	s5 =	rddreg [dreg:$0x1]  }
0x3: {  	s6 =	rddreg [dreg:$0x2];
	s2 =	srdreg.scid  }
0x4: {  	s0 =	stileid.u32;
	s7 =	rddreg [dreg:$0x3]  }
0x5: {  	s3 =	rddreg [dreg:$0x4];
	s4 =	simm.s32 $0x0;
	s13 =	simm.s32 $0x4400  }
0x6: {  	s14 =	simm.s32 $0x4600;
	s15 =	simm.s32 $0x4480;
	s16 =	simm.s32 $0x6E00  }
0x7: {  	s17 =	simm.s32 $0x1;
	s18 =	simm.s32 $0x4500;
	s19 =	simm.s32 $0x2  }
0x8: {  	s20 =	simm.s32 $0x4580;
	s21 =	simm.s32 $0x0;
	s8 =	sand.u32 $0x1, s2  }
0x9: {  	s28 =	sshll.u32 s0, $0x1;
	s2 =	rddreg [dreg:$0x5];
	s10 =	smul.u32 $0x13C00, s0  }
0xa: {  	[smem:$0x7FF] =	sst s4;
	s12 =	smul.u32 $0x4F000, s0;
	s31 =	sshll.u32 s0, $0x6  }
0xb: {  	s9 =	sor.u32 s8, s28;
	s11 =	ssub.s32 $0x2, s8;
	s8 =	smul.u32 $0x13C000, s8  }
0xc: {  	_ =	strace $0x80000047;
	s9 =	smul.u32 $0x880, s9;
	s29 =	sshrl.u32 s11, $0x1  }
0xd: {  	s30 =	sshrl.u32 s12, $0x2;
	s12 =	simm.s32 $0x50;
	s8 =	sadd.s32 s10, s8  }
0xe: {  	s10 =	sshrl.u32 s10, $0x3;
	s5 =	sadd.s32 s9, s5;
	s9 =	ssub.s32 s11, s29  }
0xf: {  	s8 =	sshrl.u32 s8, $0x3;
	s11 =	sadd.s32 s30, s3;
	s6 =	sadd.s32 s6, s10  }
0x10: {  	s10 =	sor.u32 $0x1C03, s31;
	s5 =	sadd.s32 $0x400, s5;
	s7 =	sadd.s32 s7, s8  }
0x11: {  	s8 =	smax.u32 s9, $0x1;
	s9 =	simm.s32 $0x3;
	s11 =	sshrl.u32 s11, $0x3  }
.LBB2_1:
0x12: {  	[tilespmem:s4], [sflag:$0x3] =	stream.linear.gather [hbm4b:s5+s4], $0x4200, $0x38;
	[tilespmem:$0x1D200] =	vst v63  }
0x13: {  	_ =	swait.ge [sflag:s9], $0x4200  }
0x14: {  	[sflag:s9] =	ssyncset.done $0x0  }
0x15: {  	[sflag:s9] =	ssyncadd.s32 $0xFFFFBE00  }
0x16: {  	[spmem:s11], [sflag:s10] =	dma.local [hbm:s6], $0x2780  }
0x17: {  	_ =	swait.ge [sflag:s9], $0x2780  }
0x18: {  	[sflag:s9] =	ssyncset.done $0x0  }
0x19: {  	[sflag:s9] =	ssyncadd.s32 $0xFFFFD880  }
0x1a: {  	[bflag:$0x0] =	sbarrier.arrive $0xFFFF  }
0x1b: {  	v0 =	vld [tilespmem:$0x0];
	_ =	sdelay $0x1  }
0x1c: {  	v1 =	vld [tilespmem:$0x10];
	_ =	sdelay $0x1  }
0x1d: {  	v2 =	vld [tilespmem:$0x20]  }
0x1e: {  	v3 =	vand.u32 $0xFFFF, v0  }
0x1f: {  	v0 =	vshrl.u32 v0, $0x10;
	[tilespmem:$0x4400] =	vst v3;
	v3 =	vld [tilespmem:$0x30]  }
0x20: {  	[tilespmem:$0x4500] =	vst v0;
	v0 =	vand.u32 $0xFFFF, v1  }
0x21: {  	[tilespmem:$0x4410] =	vst v0;
	v0 =	vshrl.u32 v1, $0x10;
	v1 =	vld [tilespmem:$0x40]  }
0x22: {  	[tilespmem:$0x4510] =	vst v0;
	v0 =	vand.u32 $0xFFFF, v2  }
0x23: {  	[tilespmem:$0x4420] =	vst v0;
	v0 =	vshrl.u32 v2, $0x10;
	v2 =	vld [tilespmem:$0x80]  }
0x24: {  	[tilespmem:$0x4520] =	vst v0;
	v0 =	vand.u32 $0xFFFF, v3  }
0x25: {  	[tilespmem:$0x4430] =	vst v0;
	v0 =	vshrl.u32 v3, $0x10;
	v3 =	vld [tilespmem:$0x90]  }
0x26: {  	[tilespmem:$0x4530] =	vst v0;
	v0 =	vand.u32 $0xFFFF, v1  }
0x27: {  	[tilespmem:$0x4440] =	vst v0;
	v0 =	vshrl.u32 v1, $0x10;
	v1 =	vld [tilespmem:$0xA0]  }
0x28: {  	[tilespmem:$0x4540] =	vst v0;
	v0 =	vand.u32 $0xFFFF, v2  }
0x29: {  	[tilespmem:$0x4480] =	vst v0;
	v0 =	vshrl.u32 v2, $0x10;
	v2 =	vld [tilespmem:$0xB0]  }
0x2a: {  	[tilespmem:$0x4580] =	vst v0;
	v0 =	vand.u32 $0xFFFF, v3  }
0x2b: {  	[tilespmem:$0x4490] =	vst v0;
	v0 =	vshrl.u32 v3, $0x10;
	v3 =	vld [tilespmem:$0xC0]  }
0x2c: {  	[tilespmem:$0x4590] =	vst v0;
	v0 =	vand.u32 $0xFFFF, v1  }
0x2d: {  	[tilespmem:$0x44A0] =	vst v0;
	v0 =	vshrl.u32 v1, $0x10  }
0x2e: {  	[tilespmem:$0x45A0] =	vst v0;
	v0 =	vand.u32 $0xFFFF, v2  }
0x2f: {  	[tilespmem:$0x44B0] =	vst v0;
	v0 =	vshrl.u32 v2, $0x10  }
0x30: {  	[tilespmem:$0x45B0] =	vst v0;
	v0 =	vand.u32 $0xFFFF, v3  }
0x31: {  	[tilespmem:$0x44C0] =	vst v0;
	v0 =	vshrl.u32 v3, $0x10  }
0x32: {  	[tilespmem:$0x45C0] =	vst v0  }
0x33: {  	[tilespmem:s14], [sflag:$0x1] =	stream.indirect.gather [hbm4b:s1+s12], $0x80, s13, s12, $0xb8;
	[tilespmem:$0x1D200] =	vst v63  }
0x34: {  	_ = 	snop  }
0x35: {  	[tilespmem:s16], [sflag:$0x2] =	stream.indirect.gather [hbm4b:s1+s12], $0x80, s15, s12, $0xb8;
	[tilespmem:$0x1D200] =	vst v63  }
0x36: {  	_ =	swait.ge [sflag:s17], $0x2800  }
0x37: {  	[sflag:s17] =	ssyncset.done $0x0  }
0x38: {  	[sflag:s17] =	ssyncadd.s32 $0xFFFFD800  }
0x39: {  	[spmem:s3] =	stream.indirect.scatter.add.f32 [tilespmem:s14], [sflag:$0x3], $0x80, s18, s12, $0xb8;
	[tilespmem:$0x1D200] =	vst v63  }
0x3a: {  	_ =	swait.ge [sflag:s9], $0x2800  }
0x3b: {  	p0 =	por $0x0, $0x0;
	s22 =	simm.s32 $0x100;
	[sflag:s9] =	ssyncset.done $0x0  }
0x3c: {  	s22 =	simm.s32 @p0 $0x0;
	[sflag:s9] =	ssyncadd.s32 $0xFFFFD800  }
0x3d: {  	v0 =	vld [tilespmem:s22+$0x0];
	_ =	sdelay $0x4  }
0x3e: {  	v1 =	vand.u32 $0xFFFF, v0  }
0x3f: {  	v0 =	vshrl.u32 v0, $0x10;
	[tilespmem:$0x4400] =	vst v1  }
0x40: {  	[tilespmem:$0x4500] =	vst v0  }
0x41: {  	v0 =	vld [tilespmem:s22+$0x10];
	_ =	sdelay $0x4  }
0x42: {  	v1 =	vand.u32 $0xFFFF, v0  }
0x43: {  	v0 =	vshrl.u32 v0, $0x10;
	[tilespmem:$0x4410] =	vst v1  }
0x44: {  	[tilespmem:$0x4510] =	vst v0  }
0x45: {  	v0 =	vld [tilespmem:s22+$0x20];
	_ =	sdelay $0x4  }
0x46: {  	v1 =	vand.u32 $0xFFFF, v0  }
0x47: {  	v0 =	vshrl.u32 v0, $0x10;
	[tilespmem:$0x4420] =	vst v1  }
0x48: {  	[tilespmem:$0x4520] =	vst v0  }
0x49: {  	v0 =	vld [tilespmem:s22+$0x30];
	_ =	sdelay $0x4  }
0x4a: {  	v1 =	vand.u32 $0xFFFF, v0  }
0x4b: {  	v0 =	vshrl.u32 v0, $0x10;
	[tilespmem:$0x4430] =	vst v1  }
0x4c: {  	[tilespmem:$0x4530] =	vst v0  }
0x4d: {  	v0 =	vld [tilespmem:s22+$0x40];
	_ =	sdelay $0x4  }
0x4e: {  	v1 =	vand.u32 $0xFFFF, v0  }
0x4f: {  	v0 =	vshrl.u32 v0, $0x10;
	[tilespmem:$0x4440] =	vst v1  }
0x50: {  	[tilespmem:$0x4540] =	vst v0  }
0x51: {  	[tilespmem:s14], [sflag:$0x1] =	stream.indirect.gather [hbm4b:s1+s12], $0x80, s13, s12, $0xb8;
	[tilespmem:$0x1D200] =	vst v63  }
0x52: {  	_ =	swait.ge [sflag:s19], $0x2800  }
0x53: {  	[sflag:s19] =	ssyncset.done $0x0  }
0x54: {  	[sflag:s19] =	ssyncadd.s32 $0xFFFFD800  }
0x55: {  	[spmem:s3] =	stream.indirect.scatter.add.f32 [tilespmem:s16], [sflag:$0x3], $0x80, s20, s12, $0xb8;
	[tilespmem:$0x1D200] =	vst v63  }
0x56: {  	_ =	swait.ge [sflag:s9], $0x2800  }
0x57: {  	s24 =	simm.s32 $0x180;
	[sflag:s9] =	ssyncset.done $0x0  }
0x58: {  	s24 =	simm.s32 @p0 $0x80;
	[sflag:s9] =	ssyncadd.s32 $0xFFFFD800  }
0x59: {  	v0 =	vld [tilespmem:s24+$0x0];
	_ =	sdelay $0x4  }
0x5a: {  	v1 =	vand.u32 $0xFFFF, v0  }
0x5b: {  	v0 =	vshrl.u32 v0, $0x10;
	[tilespmem:$0x4480] =	vst v1  }
0x5c: {  	[tilespmem:$0x4580] =	vst v0  }
0x5d: {  	v0 =	vld [tilespmem:s24+$0x10];
	_ =	sdelay $0x4  }
0x5e: {  	v1 =	vand.u32 $0xFFFF, v0  }
0x5f: {  	v0 =	vshrl.u32 v0, $0x10;
	[tilespmem:$0x4490] =	vst v1  }
0x60: {  	[tilespmem:$0x4590] =	vst v0  }
0x61: {  	v0 =	vld [tilespmem:s24+$0x20];
	_ =	sdelay $0x4  }
0x62: {  	v1 =	vand.u32 $0xFFFF, v0  }
0x63: {  	v0 =	vshrl.u32 v0, $0x10;
	[tilespmem:$0x44A0] =	vst v1  }
0x64: {  	[tilespmem:$0x45A0] =	vst v0  }
0x65: {  	v0 =	vld [tilespmem:s24+$0x30];
	_ =	sdelay $0x4  }
0x66: {  	s22 =	simm.s32 $0x280;
	v1 =	vand.u32 $0xFFFF, v0;
	v0 =	vshrl.u32 v0, $0x10  }
.LBB2_2:
0x67: {  	p0 =	sne.s32 s22, $0x4280;
	[tilespmem:$0x44B0] =	vst v1;
	s23 =	smov.u32 s22;
	s22 =	sadd.s32 $0x100, s22  }
0x68: {  	[tilespmem:$0x45B0] =	vst v0  }
0x69: {  	v0 =	vld [tilespmem:s24+$0x40];
	_ =	sdelay $0x4  }
0x6a: {  	v1 =	vand.u32 $0xFFFF, v0;
	v0 =	vshrl.u32 v0, $0x10  }
0x6b: {  	[tilespmem:$0x44C0] =	vst v1  }
0x6c: {  	[tilespmem:$0x45C0] =	vst v0  }
0x6d: {  	[tilespmem:s16], [sflag:$0x2] =	stream.indirect.gather [hbm4b:s1+s12], $0x80, s15, s12, $0xb8;
	[tilespmem:$0x1D200] =	vst v63  }
0x6e: {  	_ =	swait.ge [sflag:s17], $0x2800  }
0x6f: {  	[sflag:s17] =	ssyncset.done $0x0  }
0x70: {  	[sflag:s17] =	ssyncadd.s32 $0xFFFFD800  }
0x71: {  	[spmem:s3] =	stream.indirect.scatter.add.f32 [tilespmem:s14], [sflag:$0x3], $0x80, s18, s12, $0xb8;
	[tilespmem:$0x1D200] =	vst v63  }
0x72: {  	_ =	swait.ge [sflag:s9], $0x2800  }
0x73: {  	p1 =	seq.s32 s23, $0x4280;
	s24 =	sadd.s32 $0xFFFFFF80, s23;
	[sflag:s9] =	ssyncset.done $0x0  }
0x74: {  	s24 =	simm.s32 @p1 $0x0;
	[sflag:s9] =	ssyncadd.s32 $0xFFFFD800  }
0x75: {  	v0 =	vld [tilespmem:s24+$0x0];
	_ =	sdelay $0x4  }
0x76: {  	v1 =	vand.u32 $0xFFFF, v0;
	v0 =	vshrl.u32 v0, $0x10  }
0x77: {  	[tilespmem:$0x4400] =	vst v1  }
0x78: {  	[tilespmem:$0x4500] =	vst v0  }
0x79: {  	v0 =	vld [tilespmem:s24+$0x10];
	_ =	sdelay $0x4  }
0x7a: {  	v1 =	vand.u32 $0xFFFF, v0;
	v0 =	vshrl.u32 v0, $0x10  }
0x7b: {  	[tilespmem:$0x4410] =	vst v1  }
0x7c: {  	[tilespmem:$0x4510] =	vst v0  }
0x7d: {  	v0 =	vld [tilespmem:s24+$0x20];
	_ =	sdelay $0x4  }
0x7e: {  	v1 =	vand.u32 $0xFFFF, v0;
	v0 =	vshrl.u32 v0, $0x10  }
0x7f: {  	[tilespmem:$0x4420] =	vst v1  }
0x80: {  	[tilespmem:$0x4520] =	vst v0  }
0x81: {  	v0 =	vld [tilespmem:s24+$0x30];
	_ =	sdelay $0x4  }
0x82: {  	v1 =	vand.u32 $0xFFFF, v0;
	v0 =	vshrl.u32 v0, $0x10  }
0x83: {  	[tilespmem:$0x4430] =	vst v1  }
0x84: {  	[tilespmem:$0x4530] =	vst v0  }
0x85: {  	v0 =	vld [tilespmem:s24+$0x40];
	_ =	sdelay $0x4  }
0x86: {  	v1 =	vand.u32 $0xFFFF, v0;
	v0 =	vshrl.u32 v0, $0x10  }
0x87: {  	[tilespmem:$0x4440] =	vst v1  }
0x88: {  	[tilespmem:$0x4540] =	vst v0  }
0x89: {  	[tilespmem:s14], [sflag:$0x1] =	stream.indirect.gather [hbm4b:s1+s12], $0x80, s13, s12, $0xb8;
	[tilespmem:$0x1D200] =	vst v63  }
0x8a: {  	s24 =	smov.u32 s23;
	_ =	swait.ge [sflag:s19], $0x2800  }
0x8b: {  	s24 =	simm.s32 @p1 $0x80;
	[sflag:s19] =	ssyncset.done $0x0  }
0x8c: {  	[sflag:s19] =	ssyncadd.s32 $0xFFFFD800  }
0x8d: {  	[spmem:s3] =	stream.indirect.scatter.add.f32 [tilespmem:s16], [sflag:$0x3], $0x80, s20, s12, $0xb8;
	[tilespmem:$0x1D200] =	vst v63  }
0x8e: {  	_ =	swait.ge [sflag:s9], $0x2800  }
0x8f: {  	[sflag:s9] =	ssyncset.done $0x0  }
0x90: {  	[sflag:s9] =	ssyncadd.s32 $0xFFFFD800  }
0x91: {  	v0 =	vld [tilespmem:s24+$0x0];
	_ =	sdelay $0x4  }
0x92: {  	v1 =	vand.u32 $0xFFFF, v0;
	v0 =	vshrl.u32 v0, $0x10  }
0x93: {  	[tilespmem:$0x4480] =	vst v1  }
0x94: {  	[tilespmem:$0x4580] =	vst v0  }
0x95: {  	v0 =	vld [tilespmem:s24+$0x10];
	_ =	sdelay $0x4  }
0x96: {  	v1 =	vand.u32 $0xFFFF, v0;
	v0 =	vshrl.u32 v0, $0x10  }
0x97: {  	[tilespmem:$0x4490] =	vst v1  }
0x98: {  	[tilespmem:$0x4590] =	vst v0  }
0x99: {  	v0 =	vld [tilespmem:s24+$0x20];
	_ =	sdelay $0x4  }
0x9a: {  	v1 =	vand.u32 $0xFFFF, v0;
	v0 =	vshrl.u32 v0, $0x10  }
0x9b: {  	[tilespmem:$0x44A0] =	vst v1  }
0x9c: {  	[tilespmem:$0x45A0] =	vst v0  }
0x9d: {  	v0 =	vld [tilespmem:s24+$0x30]  }
.Ltmp0:
0x9e: {  	(pc) =	sbr.rel @p0 .LBB2_2-.Ltmp0, $2  }
0x9f: {  	_ =	sdelay $0x2  }
0xa0: {  	v1 =	vand.u32 $0xFFFF, v0;
	v0 =	vshrl.u32 v0, $0x10  }
0xa1: {  	[tilespmem:$0x44B0] =	vst v1  }
0xa2: {  	[tilespmem:$0x45B0] =	vst v0  }
0xa3: {  	v0 =	vld [tilespmem:s24+$0x40];
	_ =	sdelay $0x4  }
0xa4: {  	v63 =	vand.u32 $0xFFFF, v0  }
0xa5: {  	v0 =	vshrl.u32 v0, $0x10;
	[tilespmem:$0x44C0] =	vst v63  }
0xa6: {  	[tilespmem:$0x45C0] =	vst v0  }
0xa7: {  	[tilespmem:s16], [sflag:$0x2] =	stream.indirect.gather [hbm4b:s1+s12], $0x80, s15, s12, $0xb8;
	[tilespmem:$0x1D200] =	vst v63  }
0xa8: {  	_ =	swait.ge [sflag:s17], $0x2800  }
0xa9: {  	[sflag:s17] =	ssyncset.done $0x0  }
0xaa: {  	[sflag:s17] =	ssyncadd.s32 $0xFFFFD800  }
0xab: {  	_ =	swait.ge [sflag:s19], $0x2800  }
0xac: {  	s21 =	sadd.s32 $0x1, s21;
	[sflag:s19] =	ssyncset.done $0x0  }
0xad: {  	p0 =	sne.s32 s21, s8;
	[sflag:s19] =	ssyncadd.s32 $0xFFFFD800  }
.Ltmp1:
0xae: {  	[bflag:$0x0] =	sbarrier.arrive $0xFFFF;
	(pc) =	sbr.rel @p0 .LBB2_1-.Ltmp1, $4  }
0xaf: {  	[hbm:s7], [sflag:s10] =	dma.local [spmem:s11], $0x2780  }
0xb0: {  	_ =	swait.ge [sflag:s9], $0x2780  }
0xb1: {  	[sflag:s9] =	ssyncset.done $0x0  }
0xb2: {  	[sflag:s9] =	ssyncadd.s32 $0xFFFFD880  }
0xb3: {  	_ =	sfence.sel $0x180000  }
0xb4: {  	[bflag:$0x0] =	sbarrier.arrive $0xFFFF  }
0xb5: {  	p0 =	sne.s32 s0, $0x0;
	_ =	strace $0x90000047  }
0xb6: {  	s0 =	sadd.s32 @!p0 $0x100000, s2;
	[bflag:$0x2] =	sbarrier.arrive $0xFFFF  }
0xb7: {  	[sflag:s0] =	ssyncadd.tile.s32 @!p0 $0x1;
	_ =	shalt  }
.Lfunc_end2:
_tile_overlayer_lowered:
.L_overlay_start_2:
0xb8: {  	(tag) =	ssettag $0x2  }
0xb9: {  	s0 =	rddreg [dreg:$0x0];
	s2 =	stileid.u32  }
0xba: {  	s1 =	rddreg [dreg:$0x1];
	p0 =	sne.s32 s2, $0x0  }
0xbb: {  	s3 =	rddreg [dreg:$0x2];
	[bflag:$0x3] =	sbarrier.arrive $0xFFFF;
	s2 =	simm.s32 @!p0 $0x1C03  }
0xbc: {  	[timem:s3], [sflag:s2] =	dma.local @!p0 [hbm:s0], s1  }
0xbd: {  	s0 =	simm.s32 @!p0 $0x3  }
0xbe: {  	_ =	swait.ge @!p0 [sflag:s0], s1  }
0xbf: {  	s1 =	ssub.s32 @!p0 $0x0, s1;
	[sflag:s0] =	ssyncset.done @!p0 $0x0  }
0xc0: {  	[sflag:s0] =	ssyncadd.s32 @!p0 s1  }
0xc1: {  	[bflag:$0x3] =	sbarrier.arrive $0xFFFF  }
0xc2: {  	_ =	shalt  }

</sc_bundles>
